<compile_context>
chip_gen: v7x
topology: tpu7x:2x2x1
jax: 0.10.2.dev20260603
libtpu: 0.0.44.dev20260713+nightly
codegen_flags: <defaults>
</compile_context>

<pallas_src>
import functools

import numpy as np
import jax
import jax.numpy as jnp
from jax import lax
from jax.experimental import pallas as pl
from jax.experimental.pallas import tpu as pltpu
from jax.experimental.pallas import tpu_sc as plsc

N = 10000
E = 320000
EPS = 1e-5

NC = 2
NS = 16
NW = NC * NS
EPT = E // NW
K = 80
NCH = EPT // K
NP = 10240
RPT = NP // NS
DEGW = 16


def _sc_mesh():
    return plsc.VectorSubcoreMesh(core_axis_name="c", subcore_axis_name="s",
                                  num_cores=NC, num_subcores=NS)


def _deg_body(src_h, ones_h, z_h, out_h, src_v, ones_v, acc, sem):
    cid = lax.axis_index("c")
    sid = lax.axis_index("s")
    wid = sid * NC + cid
    pltpu.sync_copy(src_h.at[wid], src_v)
    pltpu.sync_copy(ones_h, ones_v)
    pltpu.sync_copy(z_h.at[pl.ds(sid * RPT, RPT)], acc.at[pl.ds(sid * RPT, RPT)])
    plsc.subcore_barrier()

    def body(j, carry):
        pltpu.async_copy(ones_v, acc.at[src_v.at[j]], sem, add=True)
        return carry

    lax.fori_loop(0, NCH, body, 0)

    def drain(j, carry):
        pltpu.make_async_copy(ones_v, acc.at[src_v.at[j]], sem).wait()
        return carry

    lax.fori_loop(0, NCH, drain, 0)
    plsc.subcore_barrier()
    pltpu.sync_copy(acc.at[pl.ds(sid * RPT, RPT)],
                    out_h.at[cid, pl.ds(sid * RPT, RPT)])


def _deg_call(srcw, ones_h, z_h):
    return pl.kernel(
        _deg_body,
        out_type=jax.ShapeDtypeStruct((NC, NP, DEGW), jnp.float32),
        mesh=_sc_mesh(),
        scratch_types=[
            pltpu.VMEM((NCH, K), jnp.int32),
            pltpu.VMEM((K, DEGW), jnp.float32),
            pltpu.VMEM_SHARED((NP, DEGW), jnp.float32),
            pltpu.SemaphoreType.DMA,
        ],
        compiler_params=pltpu.CompilerParams(use_tc_tiling_on_sc=False),
    )(srcw, ones_h, z_h)


def _gs_body(g_h, src_h, dst_h, z_h, out_h, src_v, dst_v, rows2, acc, gsem):
    cid = lax.axis_index("c")
    sid = lax.axis_index("s")
    wid = sid * NC + cid
    pltpu.sync_copy(src_h.at[wid], src_v)
    pltpu.sync_copy(dst_h.at[wid], dst_v)
    pltpu.sync_copy(z_h.at[pl.ds(sid * RPT, RPT)], acc.at[pl.ds(sid * RPT, RPT)])
    plsc.subcore_barrier()

    pltpu.async_copy(g_h.at[src_v.at[0]], rows2.at[0], gsem.at[0])

    def body(j, carry):
        p = lax.rem(j, 2)

        @pl.when(j + 1 < NCH)
        def _start_next():
            pltpu.async_copy(g_h.at[src_v.at[j + 1]], rows2.at[1 - p],
                             gsem.at[1 - p])

        pltpu.make_async_copy(g_h.at[src_v.at[j]], rows2.at[p],
                              gsem.at[p]).wait()
        pltpu.sync_copy(rows2.at[p], acc.at[dst_v.at[j]], add=True)
        return carry

    lax.fori_loop(0, NCH, body, 0)
    plsc.subcore_barrier()
    pltpu.sync_copy(acc.at[pl.ds(sid * RPT, RPT)],
                    out_h.at[cid, pl.ds(sid * RPT, RPT)])


def _gs_call(g, srcw, dstw, z_h):
    c = g.shape[1]
    return pl.kernel(
        _gs_body,
        out_type=jax.ShapeDtypeStruct((NC, NP, c), jnp.float32),
        mesh=_sc_mesh(),
        scratch_types=[
            pltpu.VMEM((NCH, K), jnp.int32),
            pltpu.VMEM((NCH, K), jnp.int32),
            pltpu.VMEM((2, K, c), jnp.float32),
            pltpu.VMEM_SHARED((NP, c), jnp.float32),
            pltpu.SemaphoreType.DMA((2,)),
        ],
        compiler_params=pltpu.CompilerParams(use_tc_tiling_on_sc=False),
    )(g, srcw, dstw, z_h)


def _bn(h, g, b):
    m = jnp.mean(h, axis=0, keepdims=True)
    v = jnp.mean((h - m) ** 2, axis=0, keepdims=True)
    return (h - m) * lax.rsqrt(v + EPS) * g + b


def _dot(a, b):
    return jnp.dot(a, b, preferred_element_type=jnp.float32)


def _b0_body(x_r, aw1_r, ab1_r, aw2_r, ab2_r, e4_r,
             fmw_r, fmb_r, bmg_r, bmb_r, faw_r, fab_r, bag_r, bab_r,
             h0_o, ixm_o, ixa_o):
    x = x_r[...]
    xm = jnp.mean(x, axis=0, keepdims=True)
    hid = jnp.maximum(_dot(xm, aw1_r[...]) + ab1_r[...], 0.0)
    raw = _dot(hid, aw2_r[...]) + ab2_r[...]
    raw = raw - jnp.max(raw, axis=1, keepdims=True)
    er = jnp.exp(raw)
    dw = er / jnp.sum(er, axis=1, keepdims=True)
    dwc = _dot(dw, e4_r[...])
    h0 = x * dwc
    h0_o[...] = h0
    ixm_o[...] = _bn(jnp.maximum(_dot(x, fmw_r[...]) + fmb_r[...], 0.0),
                     bmg_r[...], bmb_r[...])
    ixa_o[...] = _bn(jnp.maximum(_dot(x, faw_r[...]) + fab_r[...], 0.0),
                     bag_r[...], bab_r[...])


def _b1_body(h0_r, degp_r, dis_o, g1_o):
    deg = degp_r[0, :N, 0:1] + degp_r[1, :N, 0:1]
    dis = jnp.where(deg > 0.0, lax.rsqrt(jnp.maximum(deg, 1e-30)), 0.0)
    dis_o[...] = dis
    g1_o[...] = h0_r[...] * dis


def _d1_body(h0_r, sp_r, dis_r, w0_r, w1_r, b_r, bg_r, bb_r, h1_o, g2_o):
    dis = dis_r[...]
    t = (sp_r[0, :N] + sp_r[1, :N]) * (-dis)
    u = _dot(h0_r[...], w0_r[...]) + _dot(t, w1_r[...]) + b_r[...]
    h1 = jnp.maximum(_bn(u, bg_r[...], bb_r[...]), 0.0)
    h1_o[...] = h1
    g2_o[...] = h1 * dis


def _d2_body(h1_r, sp_r, dis_r, w0_r, w1_r, b_r, bg_r, bb_r, ixm_r, a_r,
             h2_o, g3_o):
    dis = dis_r[...]
    t = (sp_r[0, :N] + sp_r[1, :N]) * (-dis)
    u = _dot(h1_r[...], w0_r[...]) + _dot(t, w1_r[...]) + b_r[...]
    hm = jnp.maximum(_bn(u, bg_r[...], bb_r[...]), 0.0)
    a = a_r[0, 0]
    h2 = jnp.maximum((1.0 - a) * hm + a * ixm_r[...], 0.0)
    h2_o[...] = h2
    g3_o[...] = h2 * dis


def _d3_body(h2_r, sp_r, dis_r, w0_r, w1_r, b_r, bg_r, bb_r, ixa_r, a_r,
             out_o):
    dis = dis_r[...]
    t = (sp_r[0, :N] + sp_r[1, :N]) * (-dis)
    u = _dot(h2_r[...], w0_r[...]) + _dot(t, w1_r[...]) + b_r[...]
    h3 = _bn(u, bg_r[...], bb_r[...])
    a = a_r[0, 0]
    out_o[...] = jnp.maximum((1.0 - a) * h3 + a * ixa_r[...], 0.0)


def _sds(shape):
    return jax.ShapeDtypeStruct(shape, jnp.float32)


_E4 = np.zeros((128, 128), np.float32)
for _i in range(4):
    _E4[_i, 32 * _i:32 * (_i + 1)] = 1.0


def kernel(x, edge_index, params):
    p = params
    src = edge_index[0]
    dst = edge_index[1]
    srcw = src.reshape(NW, NCH, K)
    dstw = dst.reshape(NW, NCH, K)

    onesb = jnp.ones((K, DEGW), jnp.float32)
    zdeg = jnp.zeros((NP, DEGW), jnp.float32)
    z128 = jnp.zeros((NP, 128), jnp.float32)
    z64 = jnp.zeros((NP, 64), jnp.float32)

    degp = _deg_call(srcw, onesb, zdeg)

    aw2p = jnp.zeros((128, 128), jnp.float32).at[:, :4].set(p['att_W2'])
    ab2p = jnp.full((1, 128), -1e30, jnp.float32).at[0, :4].set(p['att_b2'])
    e4 = jnp.asarray(_E4)

    r = lambda a: a.reshape(1, -1)
    h0, ixm, ixa = pl.pallas_call(
        _b0_body,
        out_shape=[_sds((N, 128)), _sds((N, 64)), _sds((N, 32))],
    )(x, p['att_W1'], r(p['att_b1']), aw2p, ab2p, e4,
      p['fcm_W'], r(p['fcm_b']), r(p['bnm_g']), r(p['bnm_b']),
      p['fca_W'], r(p['fca_b']), r(p['bna_g']), r(p['bna_b']))
    dis, g1 = pl.pallas_call(
        _b1_body,
        out_shape=[_sds((N, 1)), _sds((N, 128))],
    )(h0, degp)

    s1p = _gs_call(g1, srcw, dstw, z128)
    h1, g2 = pl.pallas_call(
        _d1_body,
        out_shape=[_sds((N, 128)), _sds((N, 128))],
    )(h0, s1p, dis, p['c1_W0'], p['c1_W1'], r(p['c1_b']),
      r(p['bn1_g']), r(p['bn1_b']))

    s2p = _gs_call(g2, srcw, dstw, z128)
    h2, g3 = pl.pallas_call(
        _d2_body,
        out_shape=[_sds((N, 64)), _sds((N, 64))],
    )(h1, s2p, dis, p['c2_W0'], p['c2_W1'], r(p['c2_b']),
      r(p['bn2_g']), r(p['bn2_b']), ixm, p['alpha_main'].reshape(1, 1))

    s3p = _gs_call(g3, srcw, dstw, z64)
    out = pl.pallas_call(
        _d3_body,
        out_shape=_sds((N, 32)),
    )(h2, s3p, dis, p['c3_W0'], p['c3_W1'], r(p['c3_b']),
      r(p['bn3_g']), r(p['bn3_b']), ixa, p['alpha_aux'].reshape(1, 1))
    return out

# --- scband reference (transcript-rebuilt; emitter-appended) ---
"""Pipeline reference for scband-mddgcn-82764019793947 (READ-ONLY COPY).

The authoritative reference and input builder live on the scoring server;
editing this copy changes nothing except your own understanding.
"""

import jax, jax.numpy as jnp
import numpy as np

N = 10000
E = 320000
IN_C = 128
HID = 128
INTER = 64
OUT_C = 32
FEATURE_DIMS = (32, 32, 32, 32)
ATT_H = 128
EPS = 1e-5


def setup_inputs(seed: int = 0):
    key = jax.random.key(seed)
    ks = jax.random.split(key, 12)
    x = jax.random.normal(ks[0], (N, IN_C), jnp.float32)
    edge_index = jax.random.randint(ks[1], (2, E), 0, N, dtype=jnp.int32)

    def lin(k, i, o):
        s = 1.0 / np.sqrt(i)
        kw, kb = jax.random.split(k)
        W = jax.random.uniform(kw, (i, o), jnp.float32, -s, s)
        b = jax.random.uniform(kb, (o,), jnp.float32, -s, s)
        return W, b

    def cheb(k, i, o):
        k0, k1 = jax.random.split(k)
        s = np.sqrt(6.0 / (i + o))
        W0 = jax.random.uniform(k0, (i, o), jnp.float32, -s, s)
        W1 = jax.random.uniform(k1, (i, o), jnp.float32, -s, s)
        b = jnp.zeros((o,), jnp.float32)
        return W0, W1, b

    params = {}
    params['att_W1'], params['att_b1'] = lin(ks[2], IN_C, ATT_H)
    params['att_W2'], params['att_b2'] = lin(ks[3], ATT_H, len(FEATURE_DIMS))
    params['c1_W0'], params['c1_W1'], params['c1_b'] = cheb(ks[4], IN_C, HID)
    params['c2_W0'], params['c2_W1'], params['c2_b'] = cheb(ks[5], HID, INTER)
    params['c3_W0'], params['c3_W1'], params['c3_b'] = cheb(ks[6], INTER, OUT_C)
    for name, d in (('bn1', HID), ('bn2', INTER), ('bn3', OUT_C), ('bnm', INTER), ('bna', OUT_C)):
        params[name + '_g'] = jnp.ones((d,), jnp.float32)
        params[name + '_b'] = jnp.zeros((d,), jnp.float32)
    params['fcm_W'], params['fcm_b'] = lin(ks[7], IN_C, INTER)
    params['fca_W'], params['fca_b'] = lin(ks[8], IN_C, OUT_C)
    params['alpha_main'] = jnp.float32(0.5)
    params['alpha_aux'] = jnp.float32(0.5)
    return {'x': x, 'edge_index': edge_index, 'params': params}


def _batchnorm(h, g, b):
    m = h.mean(axis=0)
    v = h.var(axis=0)
    return (h - m) / jnp.sqrt(v + EPS) * g + b


def _forward(x, params, src, dst):
    p = params
    deg = jax.ops.segment_sum(jnp.ones((E,), jnp.float32), src, num_segments=N)
    dis = jnp.where(deg > 0, deg ** -0.5, 0.0)
    ew = -dis[src] * dis[dst]  # L_hat = -D^-1/2 A D^-1/2 (lambda_max=2, zero diag)

    def cheb(h, W0, W1, b):
        Tx1 = jax.ops.segment_sum(ew[:, None] * h[src], dst, num_segments=N)
        return h @ W0 + Tx1 @ W1 + b

    initial_x = x
    # dynamic feature-group attention
    hid = jax.nn.relu(x.mean(axis=0, keepdims=True) @ p['att_W1'] + p['att_b1'])
    raw = hid @ p['att_W2'] + p['att_b2']
    dw = jax.nn.softmax(raw, axis=-1)[0]
    parts = []
    start = 0
    for i, d in enumerate(FEATURE_DIMS):
        parts.append(x[:, start:start + d] * dw[i])
        start += d
    h = jnp.concatenate(parts, axis=1)

    h = jax.nn.relu(_batchnorm(cheb(h, p['c1_W0'], p['c1_W1'], p['c1_b']), p['bn1_g'], p['bn1_b']))
    h = jax.nn.relu(_batchnorm(cheb(h, p['c2_W0'], p['c2_W1'], p['c2_b']), p['bn2_g'], p['bn2_b']))
    ixm = _batchnorm(jax.nn.relu(initial_x @ p['fcm_W'] + p['fcm_b']), p['bnm_g'], p['bnm_b'])
    h = jax.nn.relu((1.0 - p['alpha_main']) * h + p['alpha_main'] * ixm)
    h = _batchnorm(cheb(h, p['c3_W0'], p['c3_W1'], p['c3_b']), p['bn3_g'], p['bn3_b'])
    ixa = _batchnorm(jax.nn.relu(initial_x @ p['fca_W'] + p['fca_b']), p['bna_g'], p['bna_b'])
    h = jax.nn.relu((1.0 - p['alpha_aux']) * h + p['alpha_aux'] * ixa)
    return h


def reference(x, edge_index, params):
    src = edge_index[0]
    dst = edge_index[1]
    return _forward(x, params, src, dst)

if __name__ == "__main__":
    import jax
    _d = setup_inputs()
    print(jax.jit(kernel)(*tuple(_d.values())))

</pallas_src>

<mosaic_0001>
#map = affine_map<(d0, d1) -> (0, 0, 0)>
#map1 = affine_map<(d0, d1) -> (0, 0)>
module attributes {stable_mosaic.version = 14 : i64} {
  func.func @_deg_body(%arg0: i32, %arg1: i32, %arg2: memref<32x125x80xi32, #tpu.memory_space<hbm>>, %arg3: memref<80x16xf32, #tpu.memory_space<hbm>>, %arg4: memref<10240x16xf32, #tpu.memory_space<hbm>>, %arg5: memref<2x10240x16xf32, #tpu.memory_space<hbm>>, %arg6: memref<125x80xi32, #tpu.memory_space<vmem>>, %arg7: memref<80x16xf32, #tpu.memory_space<vmem>>, %arg8: memref<10240x16xf32, #tpu.memory_space<vmem_shared>>, %arg9: memref<!tpu.dma_semaphore, #tpu.memory_space<semaphore_mem>>) attributes {dimension_semantics = [#tpu.dimension_semantics<core_parallel>, #tpu.dimension_semantics<subcore_parallel>], iteration_bounds = array<i64: 2, 16>, scalar_prefetch = 0 : i64, scratch_operands = 4 : i64, tpu.core_type = #tpu.core_type<sc_vector_subcore>, window_params = [{transform_indices = #map}, {transform_indices = #map1}, {transform_indices = #map1}, {transform_indices = #map}]} {
    %mul3A = arith.constant 2 : i32
    %mul3A_0 = arith.muli %arg1, %mul3A : i32
    %add3A = arith.addi %mul3A_0, %arg0 : i32
    "tpu.region"() ({
      %run_scoped3A = tpu.sem_alloc : memref<!tpu.dma_semaphore, #tpu.memory_space<semaphore_mem>>
      %dma_start3A = arith.constant 0 : i32
      %dma_start3A_21 = arith.constant 0 : i32
      %dma_start3A_22 = tpu.memref_slice %arg2[%add3A, %dma_start3A, %dma_start3A_21] : memref<32x125x80xi32, #tpu.memory_space<hbm>> -> memref<1x125x80xi32, #tpu.memory_space<hbm>>
      %dma_start3A_23 = tpu.memref_squeeze %dma_start3A_22 : memref<1x125x80xi32, #tpu.memory_space<hbm>> -> memref<125x80xi32, #tpu.memory_space<hbm>>
      %dma_start3A_24 = arith.constant 0 : i32
      %dma_start3A_25 = arith.constant 0 : i32
      %dma_start3A_26 = tpu.memref_slice %arg2[%add3A, %dma_start3A_24, %dma_start3A_25] : memref<32x125x80xi32, #tpu.memory_space<hbm>> -> memref<1x125x80xi32, #tpu.memory_space<hbm>>
      %dma_start3A_27 = tpu.memref_squeeze %dma_start3A_26 : memref<1x125x80xi32, #tpu.memory_space<hbm>> -> memref<125x80xi32, #tpu.memory_space<hbm>>
      tpu.enqueue_dma source(%dma_start3A_27 : memref<125x80xi32, #tpu.memory_space<hbm>>) target(%arg6 : memref<125x80xi32, #tpu.memory_space<vmem>>) target_semaphore(%run_scoped3A : memref<!tpu.dma_semaphore, #tpu.memory_space<semaphore_mem>>)
      %dma_wait3A = arith.constant 0 : i32
      %dma_wait3A_28 = arith.constant 0 : i32
      %dma_wait3A_29 = tpu.memref_slice %arg2[%add3A, %dma_wait3A, %dma_wait3A_28] : memref<32x125x80xi32, #tpu.memory_space<hbm>> -> memref<1x125x80xi32, #tpu.memory_space<hbm>>
      %dma_wait3A_30 = tpu.memref_squeeze %dma_wait3A_29 : memref<1x125x80xi32, #tpu.memory_space<hbm>> -> memref<125x80xi32, #tpu.memory_space<hbm>>
      %dma_wait3A_31 = arith.constant 0 : i32
      %dma_wait3A_32 = arith.constant 0 : i32
      %dma_wait3A_33 = tpu.memref_slice %arg2[%add3A, %dma_wait3A_31, %dma_wait3A_32] : memref<32x125x80xi32, #tpu.memory_space<hbm>> -> memref<1x125x80xi32, #tpu.memory_space<hbm>>
      %dma_wait3A_34 = tpu.memref_squeeze %dma_wait3A_33 : memref<1x125x80xi32, #tpu.memory_space<hbm>> -> memref<125x80xi32, #tpu.memory_space<hbm>>
      tpu.wait_dma2 semaphore(%run_scoped3A : memref<!tpu.dma_semaphore, #tpu.memory_space<semaphore_mem>>) src(%dma_wait3A_34 : memref<125x80xi32, #tpu.memory_space<hbm>>) dst(%arg6 : memref<125x80xi32, #tpu.memory_space<vmem>>)
      tpu.yield
    }) : () -> ()
    "tpu.region"() ({
      %run_scoped3A = tpu.sem_alloc : memref<!tpu.dma_semaphore, #tpu.memory_space<semaphore_mem>>
      tpu.enqueue_dma source(%arg3 : memref<80x16xf32, #tpu.memory_space<hbm>>) target(%arg7 : memref<80x16xf32, #tpu.memory_space<vmem>>) target_semaphore(%run_scoped3A : memref<!tpu.dma_semaphore, #tpu.memory_space<semaphore_mem>>)
      tpu.wait_dma2 semaphore(%run_scoped3A : memref<!tpu.dma_semaphore, #tpu.memory_space<semaphore_mem>>) src(%arg3 : memref<80x16xf32, #tpu.memory_space<hbm>>) dst(%arg7 : memref<80x16xf32, #tpu.memory_space<vmem>>)
      tpu.yield
    }) : () -> ()
    %mul3A_1 = arith.constant 640 : i32
    %mul3A_2 = arith.muli %arg1, %mul3A_1 : i32
    %mul3A_3 = arith.constant 640 : i32
    %mul3A_4 = arith.muli %arg1, %mul3A_3 : i32
    "tpu.region"() ({
      %run_scoped3A = tpu.sem_alloc : memref<!tpu.dma_semaphore, #tpu.memory_space<semaphore_mem>>
      %dma_start3A = arith.constant 0 : i32
      %dma_start3A_21 = tpu.memref_slice %arg8[%mul3A_4, %dma_start3A] : memref<10240x16xf32, #tpu.memory_space<vmem_shared>> -> memref<640x16xf32, #tpu.memory_space<vmem_shared>>
      %dma_start3A_22 = arith.constant 0 : i32
      %dma_start3A_23 = tpu.memref_slice %arg4[%mul3A_2, %dma_start3A_22] : memref<10240x16xf32, #tpu.memory_space<hbm>> -> memref<640x16xf32, #tpu.memory_space<hbm>>
      tpu.enqueue_dma source(%dma_start3A_23 : memref<640x16xf32, #tpu.memory_space<hbm>>) target(%dma_start3A_21 : memref<640x16xf32, #tpu.memory_space<vmem_shared>>) target_semaphore(%run_scoped3A : memref<!tpu.dma_semaphore, #tpu.memory_space<semaphore_mem>>)
      %dma_wait3A = arith.constant 0 : i32
      %dma_wait3A_24 = tpu.memref_slice %arg8[%mul3A_4, %dma_wait3A] : memref<10240x16xf32, #tpu.memory_space<vmem_shared>> -> memref<640x16xf32, #tpu.memory_space<vmem_shared>>
      %dma_wait3A_25 = arith.constant 0 : i32
      %dma_wait3A_26 = tpu.memref_slice %arg4[%mul3A_2, %dma_wait3A_25] : memref<10240x16xf32, #tpu.memory_space<hbm>> -> memref<640x16xf32, #tpu.memory_space<hbm>>
      tpu.wait_dma2 semaphore(%run_scoped3A : memref<!tpu.dma_semaphore, #tpu.memory_space<semaphore_mem>>) src(%dma_wait3A_26 : memref<640x16xf32, #tpu.memory_space<hbm>>) dst(%dma_wait3A_24 : memref<640x16xf32, #tpu.memory_space<vmem_shared>>)
      tpu.yield
    }) : () -> ()
    %barrier3A = arith.constant 0 : index
    tpu.barrier barrier_id(%barrier3A)
    %scan3A = arith.constant 0 : i32
    %scan3A_5 = arith.constant 0 : i32
    %scan3A_6 = arith.constant 125 : i32
    %scan3A_7 = arith.addi %scan3A_5, %scan3A_6 : i32
    %scan3A_8 = arith.constant 1 : i32
    scf.for %scan3A_21 = %scan3A_5 to %scan3A_7 step %scan3A_8  : i32 {
      %dma_start3A = arith.constant 0 : i32
      %dma_start3A_22 = tpu.memref_slice %arg6[%scan3A_21, %dma_start3A] : memref<125x80xi32, #tpu.memory_space<vmem>> -> memref<1x80xi32, #tpu.memory_space<vmem>>
      %dma_start3A_23 = tpu.memref_squeeze %dma_start3A_22 : memref<1x80xi32, #tpu.memory_space<vmem>> -> memref<80xi32, #tpu.memory_space<vmem>>
      %dma_start3A_24 = arith.constant 0 : i32
      %dma_start3A_25 = arith.constant 0 : i32
      %dma_start3A_26 = tpu.memref_slice %arg8[%dma_start3A_24, %dma_start3A_25] : memref<10240x16xf32, #tpu.memory_space<vmem_shared>> -> memref<10240x16xf32, #tpu.memory_space<vmem_shared>>
      tpu.enqueue_indirect_dma source(%arg7 : memref<80x16xf32, #tpu.memory_space<vmem>>) target(%dma_start3A_26 : memref<10240x16xf32, #tpu.memory_space<vmem_shared>>) offsets(%dma_start3A_23 : memref<80xi32, #tpu.memory_space<vmem>>) semaphore(%arg9 : memref<!tpu.dma_semaphore, #tpu.memory_space<semaphore_mem>>) {add = true}
    }
    %scan3A_9 = arith.constant 125 : i32
    %scan3A_10 = arith.constant 0 : i32
    %scan3A_11 = arith.constant 0 : i32
    %scan3A_12 = arith.constant 125 : i32
    %scan3A_13 = arith.addi %scan3A_11, %scan3A_12 : i32
    %scan3A_14 = arith.constant 1 : i32
    scf.for %scan3A_21 = %scan3A_11 to %scan3A_13 step %scan3A_14  : i32 {
      %dma_wait3A = arith.constant 0 : i32
      %dma_wait3A_22 = tpu.memref_slice %arg6[%scan3A_21, %dma_wait3A] : memref<125x80xi32, #tpu.memory_space<vmem>> -> memref<1x80xi32, #tpu.memory_space<vmem>>
      %dma_wait3A_23 = tpu.memref_squeeze %dma_wait3A_22 : memref<1x80xi32, #tpu.memory_space<vmem>> -> memref<80xi32, #tpu.memory_space<vmem>>
      %dma_wait3A_24 = arith.constant 0 : i32
      %dma_wait3A_25 = arith.constant 0 : i32
      %dma_wait3A_26 = tpu.memref_slice %arg8[%dma_wait3A_24, %dma_wait3A_25] : memref<10240x16xf32, #tpu.memory_space<vmem_shared>> -> memref<10240x16xf32, #tpu.memory_space<vmem_shared>>
      tpu.wait_indirect_dma semaphore(%arg9 : memref<!tpu.dma_semaphore, #tpu.memory_space<semaphore_mem>>) src(%arg7 : memref<80x16xf32, #tpu.memory_space<vmem>>) dst(%dma_wait3A_26 : memref<10240x16xf32, #tpu.memory_space<vmem_shared>>)
    }
    %scan3A_15 = arith.constant 125 : i32
    %barrier3A_16 = arith.constant 0 : index
    tpu.barrier barrier_id(%barrier3A_16)
    %mul3A_17 = arith.constant 640 : i32
    %mul3A_18 = arith.muli %arg1, %mul3A_17 : i32
    %mul3A_19 = arith.constant 640 : i32
    %mul3A_20 = arith.muli %arg1, %mul3A_19 : i32
    "tpu.region"() ({
      %run_scoped3A = tpu.sem_alloc : memref<!tpu.dma_semaphore, #tpu.memory_space<semaphore_mem>>
      %dma_start3A = arith.constant 0 : i32
      %dma_start3A_21 = tpu.memref_slice %arg5[%arg0, %mul3A_20, %dma_start3A] : memref<2x10240x16xf32, #tpu.memory_space<hbm>> -> memref<1x640x16xf32, #tpu.memory_space<hbm>>
      %dma_start3A_22 = tpu.memref_squeeze %dma_start3A_21 : memref<1x640x16xf32, #tpu.memory_space<hbm>> -> memref<640x16xf32, #tpu.memory_space<hbm>>
      %dma_start3A_23 = arith.constant 0 : i32
      %dma_start3A_24 = tpu.memref_slice %arg8[%mul3A_18, %dma_start3A_23] : memref<10240x16xf32, #tpu.memory_space<vmem_shared>> -> memref<640x16xf32, #tpu.memory_space<vmem_shared>>
      tpu.enqueue_dma source(%dma_start3A_24 : memref<640x16xf32, #tpu.memory_space<vmem_shared>>) target(%dma_start3A_22 : memref<640x16xf32, #tpu.memory_space<hbm>>) target_semaphore(%run_scoped3A : memref<!tpu.dma_semaphore, #tpu.memory_space<semaphore_mem>>)
      %dma_wait3A = arith.constant 0 : i32
      %dma_wait3A_25 = tpu.memref_slice %arg5[%arg0, %mul3A_20, %dma_wait3A] : memref<2x10240x16xf32, #tpu.memory_space<hbm>> -> memref<1x640x16xf32, #tpu.memory_space<hbm>>
      %dma_wait3A_26 = tpu.memref_squeeze %dma_wait3A_25 : memref<1x640x16xf32, #tpu.memory_space<hbm>> -> memref<640x16xf32, #tpu.memory_space<hbm>>
      %dma_wait3A_27 = arith.constant 0 : i32
      %dma_wait3A_28 = tpu.memref_slice %arg8[%mul3A_18, %dma_wait3A_27] : memref<10240x16xf32, #tpu.memory_space<vmem_shared>> -> memref<640x16xf32, #tpu.memory_space<vmem_shared>>
      tpu.wait_dma2 semaphore(%run_scoped3A : memref<!tpu.dma_semaphore, #tpu.memory_space<semaphore_mem>>) src(%dma_wait3A_28 : memref<640x16xf32, #tpu.memory_space<vmem_shared>>) dst(%dma_wait3A_26 : memref<640x16xf32, #tpu.memory_space<hbm>>)
      tpu.yield
    }) : () -> ()
    return
  }
}

#map = affine_map<(d0, d1) -> (0, 0)>
#map1 = affine_map<(d0, d1) -> (0, 0, 0)>
module attributes {stable_mosaic.version = 14 : i64} {
  func.func @_gs_body(%arg0: i32, %arg1: i32, %arg2: memref<10000x128xf32, #tpu.memory_space<hbm>>, %arg3: memref<32x125x80xi32, #tpu.memory_space<hbm>>, %arg4: memref<32x125x80xi32, #tpu.memory_space<hbm>>, %arg5: memref<10240x128xf32, #tpu.memory_space<hbm>>, %arg6: memref<2x10240x128xf32, #tpu.memory_space<hbm>>, %arg7: memref<125x80xi32, #tpu.memory_space<vmem>>, %arg8: memref<125x80xi32, #tpu.memory_space<vmem>>, %arg9: memref<2x80x128xf32, #tpu.memory_space<vmem>>, %arg10: memref<10240x128xf32, #tpu.memory_space<vmem_shared>>, %arg11: memref<2x!tpu.dma_semaphore, #tpu.memory_space<semaphore_mem>>) attributes {dimension_semantics = [#tpu.dimension_semantics<core_parallel>, #tpu.dimension_semantics<subcore_parallel>], iteration_bounds = array<i64: 2, 16>, scalar_prefetch = 0 : i64, scratch_operands = 5 : i64, tpu.core_type = #tpu.core_type<sc_vector_subcore>, window_params = [{transform_indices = #map}, {transform_indices = #map1}, {transform_indices = #map1}, {transform_indices = #map}, {transform_indices = #map1}]} {
    %mul3A = arith.constant 2 : i32
    %mul3A_0 = arith.muli %arg1, %mul3A : i32
    %add3A = arith.addi %mul3A_0, %arg0 : i32
    "tpu.region"() ({
      %run_scoped3A = tpu.sem_alloc : memref<!tpu.dma_semaphore, #tpu.memory_space<semaphore_mem>>
      %dma_start3A_29 = arith.constant 0 : i32
      %dma_start3A_30 = arith.constant 0 : i32
      %dma_start3A_31 = tpu.memref_slice %arg3[%add3A, %dma_start3A_29, %dma_start3A_30] : memref<32x125x80xi32, #tpu.memory_space<hbm>> -> memref<1x125x80xi32, #tpu.memory_space<hbm>>
      %dma_start3A_32 = tpu.memref_squeeze %dma_start3A_31 : memref<1x125x80xi32, #tpu.memory_space<hbm>> -> memref<125x80xi32, #tpu.memory_space<hbm>>
      %dma_start3A_33 = arith.constant 0 : i32
      %dma_start3A_34 = arith.constant 0 : i32
      %dma_start3A_35 = tpu.memref_slice %arg3[%add3A, %dma_start3A_33, %dma_start3A_34] : memref<32x125x80xi32, #tpu.memory_space<hbm>> -> memref<1x125x80xi32, #tpu.memory_space<hbm>>
      %dma_start3A_36 = tpu.memref_squeeze %dma_start3A_35 : memref<1x125x80xi32, #tpu.memory_space<hbm>> -> memref<125x80xi32, #tpu.memory_space<hbm>>
      tpu.enqueue_dma source(%dma_start3A_36 : memref<125x80xi32, #tpu.memory_space<hbm>>) target(%arg7 : memref<125x80xi32, #tpu.memory_space<vmem>>) target_semaphore(%run_scoped3A : memref<!tpu.dma_semaphore, #tpu.memory_space<semaphore_mem>>)
      %dma_wait3A = arith.constant 0 : i32
      %dma_wait3A_37 = arith.constant 0 : i32
      %dma_wait3A_38 = tpu.memref_slice %arg3[%add3A, %dma_wait3A, %dma_wait3A_37] : memref<32x125x80xi32, #tpu.memory_space<hbm>> -> memref<1x125x80xi32, #tpu.memory_space<hbm>>
      %dma_wait3A_39 = tpu.memref_squeeze %dma_wait3A_38 : memref<1x125x80xi32, #tpu.memory_space<hbm>> -> memref<125x80xi32, #tpu.memory_space<hbm>>
      %dma_wait3A_40 = arith.constant 0 : i32
      %dma_wait3A_41 = arith.constant 0 : i32
      %dma_wait3A_42 = tpu.memref_slice %arg3[%add3A, %dma_wait3A_40, %dma_wait3A_41] : memref<32x125x80xi32, #tpu.memory_space<hbm>> -> memref<1x125x80xi32, #tpu.memory_space<hbm>>
      %dma_wait3A_43 = tpu.memref_squeeze %dma_wait3A_42 : memref<1x125x80xi32, #tpu.memory_space<hbm>> -> memref<125x80xi32, #tpu.memory_space<hbm>>
      tpu.wait_dma2 semaphore(%run_scoped3A : memref<!tpu.dma_semaphore, #tpu.memory_space<semaphore_mem>>) src(%dma_wait3A_43 : memref<125x80xi32, #tpu.memory_space<hbm>>) dst(%arg7 : memref<125x80xi32, #tpu.memory_space<vmem>>)
      tpu.yield
    }) : () -> ()
    "tpu.region"() ({
      %run_scoped3A = tpu.sem_alloc : memref<!tpu.dma_semaphore, #tpu.memory_space<semaphore_mem>>
      %dma_start3A_29 = arith.constant 0 : i32
      %dma_start3A_30 = arith.constant 0 : i32
      %dma_start3A_31 = tpu.memref_slice %arg4[%add3A, %dma_start3A_29, %dma_start3A_30] : memref<32x125x80xi32, #tpu.memory_space<hbm>> -> memref<1x125x80xi32, #tpu.memory_space<hbm>>
      %dma_start3A_32 = tpu.memref_squeeze %dma_start3A_31 : memref<1x125x80xi32, #tpu.memory_space<hbm>> -> memref<125x80xi32, #tpu.memory_space<hbm>>
      %dma_start3A_33 = arith.constant 0 : i32
      %dma_start3A_34 = arith.constant 0 : i32
      %dma_start3A_35 = tpu.memref_slice %arg4[%add3A, %dma_start3A_33, %dma_start3A_34] : memref<32x125x80xi32, #tpu.memory_space<hbm>> -> memref<1x125x80xi32, #tpu.memory_space<hbm>>
      %dma_start3A_36 = tpu.memref_squeeze %dma_start3A_35 : memref<1x125x80xi32, #tpu.memory_space<hbm>> -> memref<125x80xi32, #tpu.memory_space<hbm>>
      tpu.enqueue_dma source(%dma_start3A_36 : memref<125x80xi32, #tpu.memory_space<hbm>>) target(%arg8 : memref<125x80xi32, #tpu.memory_space<vmem>>) target_semaphore(%run_scoped3A : memref<!tpu.dma_semaphore, #tpu.memory_space<semaphore_mem>>)
      %dma_wait3A = arith.constant 0 : i32
      %dma_wait3A_37 = arith.constant 0 : i32
      %dma_wait3A_38 = tpu.memref_slice %arg4[%add3A, %dma_wait3A, %dma_wait3A_37] : memref<32x125x80xi32, #tpu.memory_space<hbm>> -> memref<1x125x80xi32, #tpu.memory_space<hbm>>
      %dma_wait3A_39 = tpu.memref_squeeze %dma_wait3A_38 : memref<1x125x80xi32, #tpu.memory_space<hbm>> -> memref<125x80xi32, #tpu.memory_space<hbm>>
      %dma_wait3A_40 = arith.constant 0 : i32
      %dma_wait3A_41 = arith.constant 0 : i32
      %dma_wait3A_42 = tpu.memref_slice %arg4[%add3A, %dma_wait3A_40, %dma_wait3A_41] : memref<32x125x80xi32, #tpu.memory_space<hbm>> -> memref<1x125x80xi32, #tpu.memory_space<hbm>>
      %dma_wait3A_43 = tpu.memref_squeeze %dma_wait3A_42 : memref<1x125x80xi32, #tpu.memory_space<hbm>> -> memref<125x80xi32, #tpu.memory_space<hbm>>
      tpu.wait_dma2 semaphore(%run_scoped3A : memref<!tpu.dma_semaphore, #tpu.memory_space<semaphore_mem>>) src(%dma_wait3A_43 : memref<125x80xi32, #tpu.memory_space<hbm>>) dst(%arg8 : memref<125x80xi32, #tpu.memory_space<vmem>>)
      tpu.yield
    }) : () -> ()
    %mul3A_1 = arith.constant 640 : i32
    %mul3A_2 = arith.muli %arg1, %mul3A_1 : i32
    %mul3A_3 = arith.constant 640 : i32
    %mul3A_4 = arith.muli %arg1, %mul3A_3 : i32
    "tpu.region"() ({
      %run_scoped3A = tpu.sem_alloc : memref<!tpu.dma_semaphore, #tpu.memory_space<semaphore_mem>>
      %dma_start3A_29 = arith.constant 0 : i32
      %dma_start3A_30 = tpu.memref_slice %arg10[%mul3A_4, %dma_start3A_29] : memref<10240x128xf32, #tpu.memory_space<vmem_shared>> -> memref<640x128xf32, #tpu.memory_space<vmem_shared>>
      %dma_start3A_31 = arith.constant 0 : i32
      %dma_start3A_32 = tpu.memref_slice %arg5[%mul3A_2, %dma_start3A_31] : memref<10240x128xf32, #tpu.memory_space<hbm>> -> memref<640x128xf32, #tpu.memory_space<hbm>>
      tpu.enqueue_dma source(%dma_start3A_32 : memref<640x128xf32, #tpu.memory_space<hbm>>) target(%dma_start3A_30 : memref<640x128xf32, #tpu.memory_space<vmem_shared>>) target_semaphore(%run_scoped3A : memref<!tpu.dma_semaphore, #tpu.memory_space<semaphore_mem>>)
      %dma_wait3A = arith.constant 0 : i32
      %dma_wait3A_33 = tpu.memref_slice %arg10[%mul3A_4, %dma_wait3A] : memref<10240x128xf32, #tpu.memory_space<vmem_shared>> -> memref<640x128xf32, #tpu.memory_space<vmem_shared>>
      %dma_wait3A_34 = arith.constant 0 : i32
      %dma_wait3A_35 = tpu.memref_slice %arg5[%mul3A_2, %dma_wait3A_34] : memref<10240x128xf32, #tpu.memory_space<hbm>> -> memref<640x128xf32, #tpu.memory_space<hbm>>
      tpu.wait_dma2 semaphore(%run_scoped3A : memref<!tpu.dma_semaphore, #tpu.memory_space<semaphore_mem>>) src(%dma_wait3A_35 : memref<640x128xf32, #tpu.memory_space<hbm>>) dst(%dma_wait3A_33 : memref<640x128xf32, #tpu.memory_space<vmem_shared>>)
      tpu.yield
    }) : () -> ()
    %barrier3A = arith.constant 0 : index
    tpu.barrier barrier_id(%barrier3A)
    %dma_start3A = arith.constant 0 : i32
    %dma_start3A_5 = arith.constant 0 : i32
    %dma_start3A_6 = arith.constant 0 : i32
    %dma_start3A_7 = arith.constant 0 : i32
    %dma_start3A_8 = arith.constant 0 : i32
    %dma_start3A_9 = tpu.memref_slice %arg9[%dma_start3A_5, %dma_start3A_7, %dma_start3A_8] : memref<2x80x128xf32, #tpu.memory_space<vmem>> -> memref<1x80x128xf32, #tpu.memory_space<vmem>>
    %dma_start3A_10 = tpu.memref_squeeze %dma_start3A_9 : memref<1x80x128xf32, #tpu.memory_space<vmem>> -> memref<80x128xf32, #tpu.memory_space<vmem>>
    %dma_start3A_11 = arith.constant 0 : i32
    %dma_start3A_12 = tpu.memref_slice %arg7[%dma_start3A, %dma_start3A_11] : memref<125x80xi32, #tpu.memory_space<vmem>> -> memref<1x80xi32, #tpu.memory_space<vmem>>
    %dma_start3A_13 = tpu.memref_squeeze %dma_start3A_12 : memref<1x80xi32, #tpu.memory_space<vmem>> -> memref<80xi32, #tpu.memory_space<vmem>>
    %dma_start3A_14 = arith.constant 0 : i32
    %dma_start3A_15 = arith.constant 0 : i32
    %dma_start3A_16 = tpu.memref_slice %arg2[%dma_start3A_14, %dma_start3A_15] : memref<10000x128xf32, #tpu.memory_space<hbm>> -> memref<10000x128xf32, #tpu.memory_space<hbm>>
    %dma_start3A_17 = tpu.memref_slice %arg11[%dma_start3A_6] : memref<2x!tpu.dma_semaphore, #tpu.memory_space<semaphore_mem>> -> memref<1x!tpu.dma_semaphore, #tpu.memory_space<semaphore_mem>>
    %dma_start3A_18 = tpu.memref_squeeze %dma_start3A_17 : memref<1x!tpu.dma_semaphore, #tpu.memory_space<semaphore_mem>> -> memref<!tpu.dma_semaphore, #tpu.memory_space<semaphore_mem>>
    tpu.enqueue_indirect_dma source(%dma_start3A_16 : memref<10000x128xf32, #tpu.memory_space<hbm>>) target(%dma_start3A_10 : memref<80x128xf32, #tpu.memory_space<vmem>>) offsets(%dma_start3A_13 : memref<80xi32, #tpu.memory_space<vmem>>) semaphore(%dma_start3A_18 : memref<!tpu.dma_semaphore, #tpu.memory_space<semaphore_mem>>)
    %scan3A = arith.constant 0 : i32
    %scan3A_19 = arith.constant 0 : i32
    %scan3A_20 = arith.constant 125 : i32
    %scan3A_21 = arith.addi %scan3A_19, %scan3A_20 : i32
    %scan3A_22 = arith.constant 1 : i32
    scf.for %scan3A_29 = %scan3A_19 to %scan3A_21 step %scan3A_22  : i32 {
      %rem3A = arith.constant 2 : i32
      %rem3A_30 = arith.remsi %scan3A_29, %rem3A : i32
      %add3A_31 = arith.constant 1 : i32
      %add3A_32 = arith.addi %scan3A_29, %add3A_31 : i32
      %lt3A = arith.constant 125 : i32
      %lt3A_33 = arith.cmpi slt, %add3A_32, %lt3A : i32
      %convert_element_type3A = arith.extui %lt3A_33 : i1 to i32
      %cond3A = arith.constant 0 : i32
      %cond3A_34 = arith.cmpi ne, %convert_element_type3A, %cond3A : i32
      scf.if %cond3A_34 {
        %add3A_46 = arith.constant 1 : i32
        %add3A_47 = arith.addi %scan3A_29, %add3A_46 : i32
        %sub3A = arith.constant 1 : i32
        %sub3A_48 = arith.subi %sub3A, %rem3A_30 : i32
        %sub3A_49 = arith.constant 1 : i32
        %sub3A_50 = arith.subi %sub3A_49, %rem3A_30 : i32
        %dma_start3A_51 = arith.constant 0 : i32
        %dma_start3A_52 = arith.constant 0 : i32
        %dma_start3A_53 = tpu.memref_slice %arg9[%sub3A_48, %dma_start3A_51, %dma_start3A_52] : memref<2x80x128xf32, #tpu.memory_space<vmem>> -> memref<1x80x128xf32, #tpu.memory_space<vmem>>
        %dma_start3A_54 = tpu.memref_squeeze %dma_start3A_53 : memref<1x80x128xf32, #tpu.memory_space<vmem>> -> memref<80x128xf32, #tpu.memory_space<vmem>>
        %dma_start3A_55 = arith.constant 0 : i32
        %dma_start3A_56 = tpu.memref_slice %arg7[%add3A_47, %dma_start3A_55] : memref<125x80xi32, #tpu.memory_space<vmem>> -> memref<1x80xi32, #tpu.memory_space<vmem>>
        %dma_start3A_57 = tpu.memref_squeeze %dma_start3A_56 : memref<1x80xi32, #tpu.memory_space<vmem>> -> memref<80xi32, #tpu.memory_space<vmem>>
        %dma_start3A_58 = arith.constant 0 : i32
        %dma_start3A_59 = arith.constant 0 : i32
        %dma_start3A_60 = tpu.memref_slice %arg2[%dma_start3A_58, %dma_start3A_59] : memref<10000x128xf32, #tpu.memory_space<hbm>> -> memref<10000x128xf32, #tpu.memory_space<hbm>>
        %dma_start3A_61 = tpu.memref_slice %arg11[%sub3A_50] : memref<2x!tpu.dma_semaphore, #tpu.memory_space<semaphore_mem>> -> memref<1x!tpu.dma_semaphore, #tpu.memory_space<semaphore_mem>>
        %dma_start3A_62 = tpu.memref_squeeze %dma_start3A_61 : memref<1x!tpu.dma_semaphore, #tpu.memory_space<semaphore_mem>> -> memref<!tpu.dma_semaphore, #tpu.memory_space<semaphore_mem>>
        tpu.enqueue_indirect_dma source(%dma_start3A_60 : memref<10000x128xf32, #tpu.memory_space<hbm>>) target(%dma_start3A_54 : memref<80x128xf32, #tpu.memory_space<vmem>>) offsets(%dma_start3A_57 : memref<80xi32, #tpu.memory_space<vmem>>) semaphore(%dma_start3A_62 : memref<!tpu.dma_semaphore, #tpu.memory_space<semaphore_mem>>)
      } else {
      }
      %dma_wait3A = arith.constant 0 : i32
      %dma_wait3A_35 = arith.constant 0 : i32
      %dma_wait3A_36 = tpu.memref_slice %arg9[%rem3A_30, %dma_wait3A, %dma_wait3A_35] : memref<2x80x128xf32, #tpu.memory_space<vmem>> -> memref<1x80x128xf32, #tpu.memory_space<vmem>>
      %dma_wait3A_37 = tpu.memref_squeeze %dma_wait3A_36 : memref<1x80x128xf32, #tpu.memory_space<vmem>> -> memref<80x128xf32, #tpu.memory_space<vmem>>
      %dma_wait3A_38 = arith.constant 0 : i32
      %dma_wait3A_39 = tpu.memref_slice %arg7[%scan3A_29, %dma_wait3A_38] : memref<125x80xi32, #tpu.memory_space<vmem>> -> memref<1x80xi32, #tpu.memory_space<vmem>>
      %dma_wait3A_40 = tpu.memref_squeeze %dma_wait3A_39 : memref<1x80xi32, #tpu.memory_space<vmem>> -> memref<80xi32, #tpu.memory_space<vmem>>
      %dma_wait3A_41 = arith.constant 0 : i32
      %dma_wait3A_42 = arith.constant 0 : i32
      %dma_wait3A_43 = tpu.memref_slice %arg2[%dma_wait3A_41, %dma_wait3A_42] : memref<10000x128xf32, #tpu.memory_space<hbm>> -> memref<10000x128xf32, #tpu.memory_space<hbm>>
      %dma_wait3A_44 = tpu.memref_slice %arg11[%rem3A_30] : memref<2x!tpu.dma_semaphore, #tpu.memory_space<semaphore_mem>> -> memref<1x!tpu.dma_semaphore, #tpu.memory_space<semaphore_mem>>
      %dma_wait3A_45 = tpu.memref_squeeze %dma_wait3A_44 : memref<1x!tpu.dma_semaphore, #tpu.memory_space<semaphore_mem>> -> memref<!tpu.dma_semaphore, #tpu.memory_space<semaphore_mem>>
      tpu.wait_indirect_dma semaphore(%dma_wait3A_45 : memref<!tpu.dma_semaphore, #tpu.memory_space<semaphore_mem>>) src(%dma_wait3A_43 : memref<10000x128xf32, #tpu.memory_space<hbm>>) dst(%dma_wait3A_37 : memref<80x128xf32, #tpu.memory_space<vmem>>)
      "tpu.region"() ({
        %run_scoped3A = tpu.sem_alloc : memref<!tpu.dma_semaphore, #tpu.memory_space<semaphore_mem>>
        %dma_start3A_46 = arith.constant 0 : i32
        %dma_start3A_47 = arith.constant 0 : i32
        %dma_start3A_48 = tpu.memref_slice %arg9[%rem3A_30, %dma_start3A_46, %dma_start3A_47] : memref<2x80x128xf32, #tpu.memory_space<vmem>> -> memref<1x80x128xf32, #tpu.memory_space<vmem>>
        %dma_start3A_49 = tpu.memref_squeeze %dma_start3A_48 : memref<1x80x128xf32, #tpu.memory_space<vmem>> -> memref<80x128xf32, #tpu.memory_space<vmem>>
        %dma_start3A_50 = arith.constant 0 : i32
        %dma_start3A_51 = tpu.memref_slice %arg8[%scan3A_29, %dma_start3A_50] : memref<125x80xi32, #tpu.memory_space<vmem>> -> memref<1x80xi32, #tpu.memory_space<vmem>>
        %dma_start3A_52 = tpu.memref_squeeze %dma_start3A_51 : memref<1x80xi32, #tpu.memory_space<vmem>> -> memref<80xi32, #tpu.memory_space<vmem>>
        %dma_start3A_53 = arith.constant 0 : i32
        %dma_start3A_54 = arith.constant 0 : i32
        %dma_start3A_55 = tpu.memref_slice %arg10[%dma_start3A_53, %dma_start3A_54] : memref<10240x128xf32, #tpu.memory_space<vmem_shared>> -> memref<10240x128xf32, #tpu.memory_space<vmem_shared>>
        tpu.enqueue_indirect_dma source(%dma_start3A_49 : memref<80x128xf32, #tpu.memory_space<vmem>>) target(%dma_start3A_55 : memref<10240x128xf32, #tpu.memory_space<vmem_shared>>) offsets(%dma_start3A_52 : memref<80xi32, #tpu.memory_space<vmem>>) semaphore(%run_scoped3A : memref<!tpu.dma_semaphore, #tpu.memory_space<semaphore_mem>>) {add = true}
        %dma_wait3A_56 = arith.constant 0 : i32
        %dma_wait3A_57 = arith.constant 0 : i32
        %dma_wait3A_58 = tpu.memref_slice %arg9[%rem3A_30, %dma_wait3A_56, %dma_wait3A_57] : memref<2x80x128xf32, #tpu.memory_space<vmem>> -> memref<1x80x128xf32, #tpu.memory_space<vmem>>
        %dma_wait3A_59 = tpu.memref_squeeze %dma_wait3A_58 : memref<1x80x128xf32, #tpu.memory_space<vmem>> -> memref<80x128xf32, #tpu.memory_space<vmem>>
        %dma_wait3A_60 = arith.constant 0 : i32
        %dma_wait3A_61 = tpu.memref_slice %arg8[%scan3A_29, %dma_wait3A_60] : memref<125x80xi32, #tpu.memory_space<vmem>> -> memref<1x80xi32, #tpu.memory_space<vmem>>
        %dma_wait3A_62 = tpu.memref_squeeze %dma_wait3A_61 : memref<1x80xi32, #tpu.memory_space<vmem>> -> memref<80xi32, #tpu.memory_space<vmem>>
        %dma_wait3A_63 = arith.constant 0 : i32
        %dma_wait3A_64 = arith.constant 0 : i32
        %dma_wait3A_65 = tpu.memref_slice %arg10[%dma_wait3A_63, %dma_wait3A_64] : memref<10240x128xf32, #tpu.memory_space<vmem_shared>> -> memref<10240x128xf32, #tpu.memory_space<vmem_shared>>
        tpu.wait_indirect_dma semaphore(%run_scoped3A : memref<!tpu.dma_semaphore, #tpu.memory_space<semaphore_mem>>) src(%dma_wait3A_59 : memref<80x128xf32, #tpu.memory_space<vmem>>) dst(%dma_wait3A_65 : memref<10240x128xf32, #tpu.memory_space<vmem_shared>>)
        tpu.yield
      }) : () -> ()
    }
    %scan3A_23 = arith.constant 125 : i32
    %barrier3A_24 = arith.constant 0 : index
    tpu.barrier barrier_id(%barrier3A_24)
    %mul3A_25 = arith.constant 640 : i32
    %mul3A_26 = arith.muli %arg1, %mul3A_25 : i32
    %mul3A_27 = arith.constant 640 : i32
    %mul3A_28 = arith.muli %arg1, %mul3A_27 : i32
    "tpu.region"() ({
      %run_scoped3A = tpu.sem_alloc : memref<!tpu.dma_semaphore, #tpu.memory_space<semaphore_mem>>
      %dma_start3A_29 = arith.constant 0 : i32
      %dma_start3A_30 = tpu.memref_slice %arg6[%arg0, %mul3A_28, %dma_start3A_29] : memref<2x10240x128xf32, #tpu.memory_space<hbm>> -> memref<1x640x128xf32, #tpu.memory_space<hbm>>
      %dma_start3A_31 = tpu.memref_squeeze %dma_start3A_30 : memref<1x640x128xf32, #tpu.memory_space<hbm>> -> memref<640x128xf32, #tpu.memory_space<hbm>>
      %dma_start3A_32 = arith.constant 0 : i32
      %dma_start3A_33 = tpu.memref_slice %arg10[%mul3A_26, %dma_start3A_32] : memref<10240x128xf32, #tpu.memory_space<vmem_shared>> -> memref<640x128xf32, #tpu.memory_space<vmem_shared>>
      tpu.enqueue_dma source(%dma_start3A_33 : memref<640x128xf32, #tpu.memory_space<vmem_shared>>) target(%dma_start3A_31 : memref<640x128xf32, #tpu.memory_space<hbm>>) target_semaphore(%run_scoped3A : memref<!tpu.dma_semaphore, #tpu.memory_space<semaphore_mem>>)
      %dma_wait3A = arith.constant 0 : i32
      %dma_wait3A_34 = tpu.memref_slice %arg6[%arg0, %mul3A_28, %dma_wait3A] : memref<2x10240x128xf32, #tpu.memory_space<hbm>> -> memref<1x640x128xf32, #tpu.memory_space<hbm>>
      %dma_wait3A_35 = tpu.memref_squeeze %dma_wait3A_34 : memref<1x640x128xf32, #tpu.memory_space<hbm>> -> memref<640x128xf32, #tpu.memory_space<hbm>>
      %dma_wait3A_36 = arith.constant 0 : i32
      %dma_wait3A_37 = tpu.memref_slice %arg10[%mul3A_26, %dma_wait3A_36] : memref<10240x128xf32, #tpu.memory_space<vmem_shared>> -> memref<640x128xf32, #tpu.memory_space<vmem_shared>>
      tpu.wait_dma2 semaphore(%run_scoped3A : memref<!tpu.dma_semaphore, #tpu.memory_space<semaphore_mem>>) src(%dma_wait3A_37 : memref<640x128xf32, #tpu.memory_space<vmem_shared>>) dst(%dma_wait3A_35 : memref<640x128xf32, #tpu.memory_space<hbm>>)
      tpu.yield
    }) : () -> ()
    return
  }
}

#map = affine_map<(d0, d1) -> (0, 0)>
#map1 = affine_map<(d0, d1) -> (0, 0, 0)>
module attributes {stable_mosaic.version = 14 : i64} {
  func.func @_gs_body(%arg0: i32, %arg1: i32, %arg2: memref<10000x128xf32, #tpu.memory_space<hbm>>, %arg3: memref<32x125x80xi32, #tpu.memory_space<hbm>>, %arg4: memref<32x125x80xi32, #tpu.memory_space<hbm>>, %arg5: memref<10240x128xf32, #tpu.memory_space<hbm>>, %arg6: memref<2x10240x128xf32, #tpu.memory_space<hbm>>, %arg7: memref<125x80xi32, #tpu.memory_space<vmem>>, %arg8: memref<125x80xi32, #tpu.memory_space<vmem>>, %arg9: memref<2x80x128xf32, #tpu.memory_space<vmem>>, %arg10: memref<10240x128xf32, #tpu.memory_space<vmem_shared>>, %arg11: memref<2x!tpu.dma_semaphore, #tpu.memory_space<semaphore_mem>>) attributes {dimension_semantics = [#tpu.dimension_semantics<core_parallel>, #tpu.dimension_semantics<subcore_parallel>], iteration_bounds = array<i64: 2, 16>, scalar_prefetch = 0 : i64, scratch_operands = 5 : i64, tpu.core_type = #tpu.core_type<sc_vector_subcore>, window_params = [{transform_indices = #map}, {transform_indices = #map1}, {transform_indices = #map1}, {transform_indices = #map}, {transform_indices = #map1}]} {
    %mul3A = arith.constant 2 : i32
    %mul3A_0 = arith.muli %arg1, %mul3A : i32
    %add3A = arith.addi %mul3A_0, %arg0 : i32
    "tpu.region"() ({
      %run_scoped3A = tpu.sem_alloc : memref<!tpu.dma_semaphore, #tpu.memory_space<semaphore_mem>>
      %dma_start3A_29 = arith.constant 0 : i32
      %dma_start3A_30 = arith.constant 0 : i32
      %dma_start3A_31 = tpu.memref_slice %arg3[%add3A, %dma_start3A_29, %dma_start3A_30] : memref<32x125x80xi32, #tpu.memory_space<hbm>> -> memref<1x125x80xi32, #tpu.memory_space<hbm>>
      %dma_start3A_32 = tpu.memref_squeeze %dma_start3A_31 : memref<1x125x80xi32, #tpu.memory_space<hbm>> -> memref<125x80xi32, #tpu.memory_space<hbm>>
      %dma_start3A_33 = arith.constant 0 : i32
      %dma_start3A_34 = arith.constant 0 : i32
      %dma_start3A_35 = tpu.memref_slice %arg3[%add3A, %dma_start3A_33, %dma_start3A_34] : memref<32x125x80xi32, #tpu.memory_space<hbm>> -> memref<1x125x80xi32, #tpu.memory_space<hbm>>
      %dma_start3A_36 = tpu.memref_squeeze %dma_start3A_35 : memref<1x125x80xi32, #tpu.memory_space<hbm>> -> memref<125x80xi32, #tpu.memory_space<hbm>>
      tpu.enqueue_dma source(%dma_start3A_36 : memref<125x80xi32, #tpu.memory_space<hbm>>) target(%arg7 : memref<125x80xi32, #tpu.memory_space<vmem>>) target_semaphore(%run_scoped3A : memref<!tpu.dma_semaphore, #tpu.memory_space<semaphore_mem>>)
      %dma_wait3A = arith.constant 0 : i32
      %dma_wait3A_37 = arith.constant 0 : i32
      %dma_wait3A_38 = tpu.memref_slice %arg3[%add3A, %dma_wait3A, %dma_wait3A_37] : memref<32x125x80xi32, #tpu.memory_space<hbm>> -> memref<1x125x80xi32, #tpu.memory_space<hbm>>
      %dma_wait3A_39 = tpu.memref_squeeze %dma_wait3A_38 : memref<1x125x80xi32, #tpu.memory_space<hbm>> -> memref<125x80xi32, #tpu.memory_space<hbm>>
      %dma_wait3A_40 = arith.constant 0 : i32
      %dma_wait3A_41 = arith.constant 0 : i32
      %dma_wait3A_42 = tpu.memref_slice %arg3[%add3A, %dma_wait3A_40, %dma_wait3A_41] : memref<32x125x80xi32, #tpu.memory_space<hbm>> -> memref<1x125x80xi32, #tpu.memory_space<hbm>>
      %dma_wait3A_43 = tpu.memref_squeeze %dma_wait3A_42 : memref<1x125x80xi32, #tpu.memory_space<hbm>> -> memref<125x80xi32, #tpu.memory_space<hbm>>
      tpu.wait_dma2 semaphore(%run_scoped3A : memref<!tpu.dma_semaphore, #tpu.memory_space<semaphore_mem>>) src(%dma_wait3A_43 : memref<125x80xi32, #tpu.memory_space<hbm>>) dst(%arg7 : memref<125x80xi32, #tpu.memory_space<vmem>>)
      tpu.yield
    }) : () -> ()
    "tpu.region"() ({
      %run_scoped3A = tpu.sem_alloc : memref<!tpu.dma_semaphore, #tpu.memory_space<semaphore_mem>>
      %dma_start3A_29 = arith.constant 0 : i32
      %dma_start3A_30 = arith.constant 0 : i32
      %dma_start3A_31 = tpu.memref_slice %arg4[%add3A, %dma_start3A_29, %dma_start3A_30] : memref<32x125x80xi32, #tpu.memory_space<hbm>> -> memref<1x125x80xi32, #tpu.memory_space<hbm>>
      %dma_start3A_32 = tpu.memref_squeeze %dma_start3A_31 : memref<1x125x80xi32, #tpu.memory_space<hbm>> -> memref<125x80xi32, #tpu.memory_space<hbm>>
      %dma_start3A_33 = arith.constant 0 : i32
      %dma_start3A_34 = arith.constant 0 : i32
      %dma_start3A_35 = tpu.memref_slice %arg4[%add3A, %dma_start3A_33, %dma_start3A_34] : memref<32x125x80xi32, #tpu.memory_space<hbm>> -> memref<1x125x80xi32, #tpu.memory_space<hbm>>
      %dma_start3A_36 = tpu.memref_squeeze %dma_start3A_35 : memref<1x125x80xi32, #tpu.memory_space<hbm>> -> memref<125x80xi32, #tpu.memory_space<hbm>>
      tpu.enqueue_dma source(%dma_start3A_36 : memref<125x80xi32, #tpu.memory_space<hbm>>) target(%arg8 : memref<125x80xi32, #tpu.memory_space<vmem>>) target_semaphore(%run_scoped3A : memref<!tpu.dma_semaphore, #tpu.memory_space<semaphore_mem>>)
      %dma_wait3A = arith.constant 0 : i32
      %dma_wait3A_37 = arith.constant 0 : i32
      %dma_wait3A_38 = tpu.memref_slice %arg4[%add3A, %dma_wait3A, %dma_wait3A_37] : memref<32x125x80xi32, #tpu.memory_space<hbm>> -> memref<1x125x80xi32, #tpu.memory_space<hbm>>
      %dma_wait3A_39 = tpu.memref_squeeze %dma_wait3A_38 : memref<1x125x80xi32, #tpu.memory_space<hbm>> -> memref<125x80xi32, #tpu.memory_space<hbm>>
      %dma_wait3A_40 = arith.constant 0 : i32
      %dma_wait3A_41 = arith.constant 0 : i32
      %dma_wait3A_42 = tpu.memref_slice %arg4[%add3A, %dma_wait3A_40, %dma_wait3A_41] : memref<32x125x80xi32, #tpu.memory_space<hbm>> -> memref<1x125x80xi32, #tpu.memory_space<hbm>>
      %dma_wait3A_43 = tpu.memref_squeeze %dma_wait3A_42 : memref<1x125x80xi32, #tpu.memory_space<hbm>> -> memref<125x80xi32, #tpu.memory_space<hbm>>
      tpu.wait_dma2 semaphore(%run_scoped3A : memref<!tpu.dma_semaphore, #tpu.memory_space<semaphore_mem>>) src(%dma_wait3A_43 : memref<125x80xi32, #tpu.memory_space<hbm>>) dst(%arg8 : memref<125x80xi32, #tpu.memory_space<vmem>>)
      tpu.yield
    }) : () -> ()
    %mul3A_1 = arith.constant 640 : i32
    %mul3A_2 = arith.muli %arg1, %mul3A_1 : i32
    %mul3A_3 = arith.constant 640 : i32
    %mul3A_4 = arith.muli %arg1, %mul3A_3 : i32
    "tpu.region"() ({
      %run_scoped3A = tpu.sem_alloc : memref<!tpu.dma_semaphore, #tpu.memory_space<semaphore_mem>>
      %dma_start3A_29 = arith.constant 0 : i32
      %dma_start3A_30 = tpu.memref_slice %arg10[%mul3A_4, %dma_start3A_29] : memref<10240x128xf32, #tpu.memory_space<vmem_shared>> -> memref<640x128xf32, #tpu.memory_space<vmem_shared>>
      %dma_start3A_31 = arith.constant 0 : i32
      %dma_start3A_32 = tpu.memref_slice %arg5[%mul3A_2, %dma_start3A_31] : memref<10240x128xf32, #tpu.memory_space<hbm>> -> memref<640x128xf32, #tpu.memory_space<hbm>>
      tpu.enqueue_dma source(%dma_start3A_32 : memref<640x128xf32, #tpu.memory_space<hbm>>) target(%dma_start3A_30 : memref<640x128xf32, #tpu.memory_space<vmem_shared>>) target_semaphore(%run_scoped3A : memref<!tpu.dma_semaphore, #tpu.memory_space<semaphore_mem>>)
      %dma_wait3A = arith.constant 0 : i32
      %dma_wait3A_33 = tpu.memref_slice %arg10[%mul3A_4, %dma_wait3A] : memref<10240x128xf32, #tpu.memory_space<vmem_shared>> -> memref<640x128xf32, #tpu.memory_space<vmem_shared>>
      %dma_wait3A_34 = arith.constant 0 : i32
      %dma_wait3A_35 = tpu.memref_slice %arg5[%mul3A_2, %dma_wait3A_34] : memref<10240x128xf32, #tpu.memory_space<hbm>> -> memref<640x128xf32, #tpu.memory_space<hbm>>
      tpu.wait_dma2 semaphore(%run_scoped3A : memref<!tpu.dma_semaphore, #tpu.memory_space<semaphore_mem>>) src(%dma_wait3A_35 : memref<640x128xf32, #tpu.memory_space<hbm>>) dst(%dma_wait3A_33 : memref<640x128xf32, #tpu.memory_space<vmem_shared>>)
      tpu.yield
    }) : () -> ()
    %barrier3A = arith.constant 0 : index
    tpu.barrier barrier_id(%barrier3A)
    %dma_start3A = arith.constant 0 : i32
    %dma_start3A_5 = arith.constant 0 : i32
    %dma_start3A_6 = arith.constant 0 : i32
    %dma_start3A_7 = arith.constant 0 : i32
    %dma_start3A_8 = arith.constant 0 : i32
    %dma_start3A_9 = tpu.memref_slice %arg9[%dma_start3A_5, %dma_start3A_7, %dma_start3A_8] : memref<2x80x128xf32, #tpu.memory_space<vmem>> -> memref<1x80x128xf32, #tpu.memory_space<vmem>>
    %dma_start3A_10 = tpu.memref_squeeze %dma_start3A_9 : memref<1x80x128xf32, #tpu.memory_space<vmem>> -> memref<80x128xf32, #tpu.memory_space<vmem>>
    %dma_start3A_11 = arith.constant 0 : i32
    %dma_start3A_12 = tpu.memref_slice %arg7[%dma_start3A, %dma_start3A_11] : memref<125x80xi32, #tpu.memory_space<vmem>> -> memref<1x80xi32, #tpu.memory_space<vmem>>
    %dma_start3A_13 = tpu.memref_squeeze %dma_start3A_12 : memref<1x80xi32, #tpu.memory_space<vmem>> -> memref<80xi32, #tpu.memory_space<vmem>>
    %dma_start3A_14 = arith.constant 0 : i32
    %dma_start3A_15 = arith.constant 0 : i32
    %dma_start3A_16 = tpu.memref_slice %arg2[%dma_start3A_14, %dma_start3A_15] : memref<10000x128xf32, #tpu.memory_space<hbm>> -> memref<10000x128xf32, #tpu.memory_space<hbm>>
    %dma_start3A_17 = tpu.memref_slice %arg11[%dma_start3A_6] : memref<2x!tpu.dma_semaphore, #tpu.memory_space<semaphore_mem>> -> memref<1x!tpu.dma_semaphore, #tpu.memory_space<semaphore_mem>>
    %dma_start3A_18 = tpu.memref_squeeze %dma_start3A_17 : memref<1x!tpu.dma_semaphore, #tpu.memory_space<semaphore_mem>> -> memref<!tpu.dma_semaphore, #tpu.memory_space<semaphore_mem>>
    tpu.enqueue_indirect_dma source(%dma_start3A_16 : memref<10000x128xf32, #tpu.memory_space<hbm>>) target(%dma_start3A_10 : memref<80x128xf32, #tpu.memory_space<vmem>>) offsets(%dma_start3A_13 : memref<80xi32, #tpu.memory_space<vmem>>) semaphore(%dma_start3A_18 : memref<!tpu.dma_semaphore, #tpu.memory_space<semaphore_mem>>)
    %scan3A = arith.constant 0 : i32
    %scan3A_19 = arith.constant 0 : i32
    %scan3A_20 = arith.constant 125 : i32
    %scan3A_21 = arith.addi %scan3A_19, %scan3A_20 : i32
    %scan3A_22 = arith.constant 1 : i32
    scf.for %scan3A_29 = %scan3A_19 to %scan3A_21 step %scan3A_22  : i32 {
      %rem3A = arith.constant 2 : i32
      %rem3A_30 = arith.remsi %scan3A_29, %rem3A : i32
      %add3A_31 = arith.constant 1 : i32
      %add3A_32 = arith.addi %scan3A_29, %add3A_31 : i32
      %lt3A = arith.constant 125 : i32
      %lt3A_33 = arith.cmpi slt, %add3A_32, %lt3A : i32
      %convert_element_type3A = arith.extui %lt3A_33 : i1 to i32
      %cond3A = arith.constant 0 : i32
      %cond3A_34 = arith.cmpi ne, %convert_element_type3A, %cond3A : i32
      scf.if %cond3A_34 {
        %add3A_46 = arith.constant 1 : i32
        %add3A_47 = arith.addi %scan3A_29, %add3A_46 : i32
        %sub3A = arith.constant 1 : i32
        %sub3A_48 = arith.subi %sub3A, %rem3A_30 : i32
        %sub3A_49 = arith.constant 1 : i32
        %sub3A_50 = arith.subi %sub3A_49, %rem3A_30 : i32
        %dma_start3A_51 = arith.constant 0 : i32
        %dma_start3A_52 = arith.constant 0 : i32
        %dma_start3A_53 = tpu.memref_slice %arg9[%sub3A_48, %dma_start3A_51, %dma_start3A_52] : memref<2x80x128xf32, #tpu.memory_space<vmem>> -> memref<1x80x128xf32, #tpu.memory_space<vmem>>
        %dma_start3A_54 = tpu.memref_squeeze %dma_start3A_53 : memref<1x80x128xf32, #tpu.memory_space<vmem>> -> memref<80x128xf32, #tpu.memory_space<vmem>>
        %dma_start3A_55 = arith.constant 0 : i32
        %dma_start3A_56 = tpu.memref_slice %arg7[%add3A_47, %dma_start3A_55] : memref<125x80xi32, #tpu.memory_space<vmem>> -> memref<1x80xi32, #tpu.memory_space<vmem>>
        %dma_start3A_57 = tpu.memref_squeeze %dma_start3A_56 : memref<1x80xi32, #tpu.memory_space<vmem>> -> memref<80xi32, #tpu.memory_space<vmem>>
        %dma_start3A_58 = arith.constant 0 : i32
        %dma_start3A_59 = arith.constant 0 : i32
        %dma_start3A_60 = tpu.memref_slice %arg2[%dma_start3A_58, %dma_start3A_59] : memref<10000x128xf32, #tpu.memory_space<hbm>> -> memref<10000x128xf32, #tpu.memory_space<hbm>>
        %dma_start3A_61 = tpu.memref_slice %arg11[%sub3A_50] : memref<2x!tpu.dma_semaphore, #tpu.memory_space<semaphore_mem>> -> memref<1x!tpu.dma_semaphore, #tpu.memory_space<semaphore_mem>>
        %dma_start3A_62 = tpu.memref_squeeze %dma_start3A_61 : memref<1x!tpu.dma_semaphore, #tpu.memory_space<semaphore_mem>> -> memref<!tpu.dma_semaphore, #tpu.memory_space<semaphore_mem>>
        tpu.enqueue_indirect_dma source(%dma_start3A_60 : memref<10000x128xf32, #tpu.memory_space<hbm>>) target(%dma_start3A_54 : memref<80x128xf32, #tpu.memory_space<vmem>>) offsets(%dma_start3A_57 : memref<80xi32, #tpu.memory_space<vmem>>) semaphore(%dma_start3A_62 : memref<!tpu.dma_semaphore, #tpu.memory_space<semaphore_mem>>)
      } else {
      }
      %dma_wait3A = arith.constant 0 : i32
      %dma_wait3A_35 = arith.constant 0 : i32
      %dma_wait3A_36 = tpu.memref_slice %arg9[%rem3A_30, %dma_wait3A, %dma_wait3A_35] : memref<2x80x128xf32, #tpu.memory_space<vmem>> -> memref<1x80x128xf32, #tpu.memory_space<vmem>>
      %dma_wait3A_37 = tpu.memref_squeeze %dma_wait3A_36 : memref<1x80x128xf32, #tpu.memory_space<vmem>> -> memref<80x128xf32, #tpu.memory_space<vmem>>
      %dma_wait3A_38 = arith.constant 0 : i32
      %dma_wait3A_39 = tpu.memref_slice %arg7[%scan3A_29, %dma_wait3A_38] : memref<125x80xi32, #tpu.memory_space<vmem>> -> memref<1x80xi32, #tpu.memory_space<vmem>>
      %dma_wait3A_40 = tpu.memref_squeeze %dma_wait3A_39 : memref<1x80xi32, #tpu.memory_space<vmem>> -> memref<80xi32, #tpu.memory_space<vmem>>
      %dma_wait3A_41 = arith.constant 0 : i32
      %dma_wait3A_42 = arith.constant 0 : i32
      %dma_wait3A_43 = tpu.memref_slice %arg2[%dma_wait3A_41, %dma_wait3A_42] : memref<10000x128xf32, #tpu.memory_space<hbm>> -> memref<10000x128xf32, #tpu.memory_space<hbm>>
      %dma_wait3A_44 = tpu.memref_slice %arg11[%rem3A_30] : memref<2x!tpu.dma_semaphore, #tpu.memory_space<semaphore_mem>> -> memref<1x!tpu.dma_semaphore, #tpu.memory_space<semaphore_mem>>
      %dma_wait3A_45 = tpu.memref_squeeze %dma_wait3A_44 : memref<1x!tpu.dma_semaphore, #tpu.memory_space<semaphore_mem>> -> memref<!tpu.dma_semaphore, #tpu.memory_space<semaphore_mem>>
      tpu.wait_indirect_dma semaphore(%dma_wait3A_45 : memref<!tpu.dma_semaphore, #tpu.memory_space<semaphore_mem>>) src(%dma_wait3A_43 : memref<10000x128xf32, #tpu.memory_space<hbm>>) dst(%dma_wait3A_37 : memref<80x128xf32, #tpu.memory_space<vmem>>)
      "tpu.region"() ({
        %run_scoped3A = tpu.sem_alloc : memref<!tpu.dma_semaphore, #tpu.memory_space<semaphore_mem>>
        %dma_start3A_46 = arith.constant 0 : i32
        %dma_start3A_47 = arith.constant 0 : i32
        %dma_start3A_48 = tpu.memref_slice %arg9[%rem3A_30, %dma_start3A_46, %dma_start3A_47] : memref<2x80x128xf32, #tpu.memory_space<vmem>> -> memref<1x80x128xf32, #tpu.memory_space<vmem>>
        %dma_start3A_49 = tpu.memref_squeeze %dma_start3A_48 : memref<1x80x128xf32, #tpu.memory_space<vmem>> -> memref<80x128xf32, #tpu.memory_space<vmem>>
        %dma_start3A_50 = arith.constant 0 : i32
        %dma_start3A_51 = tpu.memref_slice %arg8[%scan3A_29, %dma_start3A_50] : memref<125x80xi32, #tpu.memory_space<vmem>> -> memref<1x80xi32, #tpu.memory_space<vmem>>
        %dma_start3A_52 = tpu.memref_squeeze %dma_start3A_51 : memref<1x80xi32, #tpu.memory_space<vmem>> -> memref<80xi32, #tpu.memory_space<vmem>>
        %dma_start3A_53 = arith.constant 0 : i32
        %dma_start3A_54 = arith.constant 0 : i32
        %dma_start3A_55 = tpu.memref_slice %arg10[%dma_start3A_53, %dma_start3A_54] : memref<10240x128xf32, #tpu.memory_space<vmem_shared>> -> memref<10240x128xf32, #tpu.memory_space<vmem_shared>>
        tpu.enqueue_indirect_dma source(%dma_start3A_49 : memref<80x128xf32, #tpu.memory_space<vmem>>) target(%dma_start3A_55 : memref<10240x128xf32, #tpu.memory_space<vmem_shared>>) offsets(%dma_start3A_52 : memref<80xi32, #tpu.memory_space<vmem>>) semaphore(%run_scoped3A : memref<!tpu.dma_semaphore, #tpu.memory_space<semaphore_mem>>) {add = true}
        %dma_wait3A_56 = arith.constant 0 : i32
        %dma_wait3A_57 = arith.constant 0 : i32
        %dma_wait3A_58 = tpu.memref_slice %arg9[%rem3A_30, %dma_wait3A_56, %dma_wait3A_57] : memref<2x80x128xf32, #tpu.memory_space<vmem>> -> memref<1x80x128xf32, #tpu.memory_space<vmem>>
        %dma_wait3A_59 = tpu.memref_squeeze %dma_wait3A_58 : memref<1x80x128xf32, #tpu.memory_space<vmem>> -> memref<80x128xf32, #tpu.memory_space<vmem>>
        %dma_wait3A_60 = arith.constant 0 : i32
        %dma_wait3A_61 = tpu.memref_slice %arg8[%scan3A_29, %dma_wait3A_60] : memref<125x80xi32, #tpu.memory_space<vmem>> -> memref<1x80xi32, #tpu.memory_space<vmem>>
        %dma_wait3A_62 = tpu.memref_squeeze %dma_wait3A_61 : memref<1x80xi32, #tpu.memory_space<vmem>> -> memref<80xi32, #tpu.memory_space<vmem>>
        %dma_wait3A_63 = arith.constant 0 : i32
        %dma_wait3A_64 = arith.constant 0 : i32
        %dma_wait3A_65 = tpu.memref_slice %arg10[%dma_wait3A_63, %dma_wait3A_64] : memref<10240x128xf32, #tpu.memory_space<vmem_shared>> -> memref<10240x128xf32, #tpu.memory_space<vmem_shared>>
        tpu.wait_indirect_dma semaphore(%run_scoped3A : memref<!tpu.dma_semaphore, #tpu.memory_space<semaphore_mem>>) src(%dma_wait3A_59 : memref<80x128xf32, #tpu.memory_space<vmem>>) dst(%dma_wait3A_65 : memref<10240x128xf32, #tpu.memory_space<vmem_shared>>)
        tpu.yield
      }) : () -> ()
    }
    %scan3A_23 = arith.constant 125 : i32
    %barrier3A_24 = arith.constant 0 : index
    tpu.barrier barrier_id(%barrier3A_24)
    %mul3A_25 = arith.constant 640 : i32
    %mul3A_26 = arith.muli %arg1, %mul3A_25 : i32
    %mul3A_27 = arith.constant 640 : i32
    %mul3A_28 = arith.muli %arg1, %mul3A_27 : i32
    "tpu.region"() ({
      %run_scoped3A = tpu.sem_alloc : memref<!tpu.dma_semaphore, #tpu.memory_space<semaphore_mem>>
      %dma_start3A_29 = arith.constant 0 : i32
      %dma_start3A_30 = tpu.memref_slice %arg6[%arg0, %mul3A_28, %dma_start3A_29] : memref<2x10240x128xf32, #tpu.memory_space<hbm>> -> memref<1x640x128xf32, #tpu.memory_space<hbm>>
      %dma_start3A_31 = tpu.memref_squeeze %dma_start3A_30 : memref<1x640x128xf32, #tpu.memory_space<hbm>> -> memref<640x128xf32, #tpu.memory_space<hbm>>
      %dma_start3A_32 = arith.constant 0 : i32
      %dma_start3A_33 = tpu.memref_slice %arg10[%mul3A_26, %dma_start3A_32] : memref<10240x128xf32, #tpu.memory_space<vmem_shared>> -> memref<640x128xf32, #tpu.memory_space<vmem_shared>>
      tpu.enqueue_dma source(%dma_start3A_33 : memref<640x128xf32, #tpu.memory_space<vmem_shared>>) target(%dma_start3A_31 : memref<640x128xf32, #tpu.memory_space<hbm>>) target_semaphore(%run_scoped3A : memref<!tpu.dma_semaphore, #tpu.memory_space<semaphore_mem>>)
      %dma_wait3A = arith.constant 0 : i32
      %dma_wait3A_34 = tpu.memref_slice %arg6[%arg0, %mul3A_28, %dma_wait3A] : memref<2x10240x128xf32, #tpu.memory_space<hbm>> -> memref<1x640x128xf32, #tpu.memory_space<hbm>>
      %dma_wait3A_35 = tpu.memref_squeeze %dma_wait3A_34 : memref<1x640x128xf32, #tpu.memory_space<hbm>> -> memref<640x128xf32, #tpu.memory_space<hbm>>
      %dma_wait3A_36 = arith.constant 0 : i32
      %dma_wait3A_37 = tpu.memref_slice %arg10[%mul3A_26, %dma_wait3A_36] : memref<10240x128xf32, #tpu.memory_space<vmem_shared>> -> memref<640x128xf32, #tpu.memory_space<vmem_shared>>
      tpu.wait_dma2 semaphore(%run_scoped3A : memref<!tpu.dma_semaphore, #tpu.memory_space<semaphore_mem>>) src(%dma_wait3A_37 : memref<640x128xf32, #tpu.memory_space<vmem_shared>>) dst(%dma_wait3A_35 : memref<640x128xf32, #tpu.memory_space<hbm>>)
      tpu.yield
    }) : () -> ()
    return
  }
}

#map = affine_map<(d0, d1) -> (0, 0)>
#map1 = affine_map<(d0, d1) -> (0, 0, 0)>
module attributes {stable_mosaic.version = 14 : i64} {
  func.func @_gs_body(%arg0: i32, %arg1: i32, %arg2: memref<10000x64xf32, #tpu.memory_space<hbm>>, %arg3: memref<32x125x80xi32, #tpu.memory_space<hbm>>, %arg4: memref<32x125x80xi32, #tpu.memory_space<hbm>>, %arg5: memref<10240x64xf32, #tpu.memory_space<hbm>>, %arg6: memref<2x10240x64xf32, #tpu.memory_space<hbm>>, %arg7: memref<125x80xi32, #tpu.memory_space<vmem>>, %arg8: memref<125x80xi32, #tpu.memory_space<vmem>>, %arg9: memref<2x80x64xf32, #tpu.memory_space<vmem>>, %arg10: memref<10240x64xf32, #tpu.memory_space<vmem_shared>>, %arg11: memref<2x!tpu.dma_semaphore, #tpu.memory_space<semaphore_mem>>) attributes {dimension_semantics = [#tpu.dimension_semantics<core_parallel>, #tpu.dimension_semantics<subcore_parallel>], iteration_bounds = array<i64: 2, 16>, scalar_prefetch = 0 : i64, scratch_operands = 5 : i64, tpu.core_type = #tpu.core_type<sc_vector_subcore>, window_params = [{transform_indices = #map}, {transform_indices = #map1}, {transform_indices = #map1}, {transform_indices = #map}, {transform_indices = #map1}]} {
    %mul3A = arith.constant 2 : i32
    %mul3A_0 = arith.muli %arg1, %mul3A : i32
    %add3A = arith.addi %mul3A_0, %arg0 : i32
    "tpu.region"() ({
      %run_scoped3A = tpu.sem_alloc : memref<!tpu.dma_semaphore, #tpu.memory_space<semaphore_mem>>
      %dma_start3A_29 = arith.constant 0 : i32
      %dma_start3A_30 = arith.constant 0 : i32
      %dma_start3A_31 = tpu.memref_slice %arg3[%add3A, %dma_start3A_29, %dma_start3A_30] : memref<32x125x80xi32, #tpu.memory_space<hbm>> -> memref<1x125x80xi32, #tpu.memory_space<hbm>>
      %dma_start3A_32 = tpu.memref_squeeze %dma_start3A_31 : memref<1x125x80xi32, #tpu.memory_space<hbm>> -> memref<125x80xi32, #tpu.memory_space<hbm>>
      %dma_start3A_33 = arith.constant 0 : i32
      %dma_start3A_34 = arith.constant 0 : i32
      %dma_start3A_35 = tpu.memref_slice %arg3[%add3A, %dma_start3A_33, %dma_start3A_34] : memref<32x125x80xi32, #tpu.memory_space<hbm>> -> memref<1x125x80xi32, #tpu.memory_space<hbm>>
      %dma_start3A_36 = tpu.memref_squeeze %dma_start3A_35 : memref<1x125x80xi32, #tpu.memory_space<hbm>> -> memref<125x80xi32, #tpu.memory_space<hbm>>
      tpu.enqueue_dma source(%dma_start3A_36 : memref<125x80xi32, #tpu.memory_space<hbm>>) target(%arg7 : memref<125x80xi32, #tpu.memory_space<vmem>>) target_semaphore(%run_scoped3A : memref<!tpu.dma_semaphore, #tpu.memory_space<semaphore_mem>>)
      %dma_wait3A = arith.constant 0 : i32
      %dma_wait3A_37 = arith.constant 0 : i32
      %dma_wait3A_38 = tpu.memref_slice %arg3[%add3A, %dma_wait3A, %dma_wait3A_37] : memref<32x125x80xi32, #tpu.memory_space<hbm>> -> memref<1x125x80xi32, #tpu.memory_space<hbm>>
      %dma_wait3A_39 = tpu.memref_squeeze %dma_wait3A_38 : memref<1x125x80xi32, #tpu.memory_space<hbm>> -> memref<125x80xi32, #tpu.memory_space<hbm>>
      %dma_wait3A_40 = arith.constant 0 : i32
      %dma_wait3A_41 = arith.constant 0 : i32
      %dma_wait3A_42 = tpu.memref_slice %arg3[%add3A, %dma_wait3A_40, %dma_wait3A_41] : memref<32x125x80xi32, #tpu.memory_space<hbm>> -> memref<1x125x80xi32, #tpu.memory_space<hbm>>
      %dma_wait3A_43 = tpu.memref_squeeze %dma_wait3A_42 : memref<1x125x80xi32, #tpu.memory_space<hbm>> -> memref<125x80xi32, #tpu.memory_space<hbm>>
      tpu.wait_dma2 semaphore(%run_scoped3A : memref<!tpu.dma_semaphore, #tpu.memory_space<semaphore_mem>>) src(%dma_wait3A_43 : memref<125x80xi32, #tpu.memory_space<hbm>>) dst(%arg7 : memref<125x80xi32, #tpu.memory_space<vmem>>)
      tpu.yield
    }) : () -> ()
    "tpu.region"() ({
      %run_scoped3A = tpu.sem_alloc : memref<!tpu.dma_semaphore, #tpu.memory_space<semaphore_mem>>
      %dma_start3A_29 = arith.constant 0 : i32
      %dma_start3A_30 = arith.constant 0 : i32
      %dma_start3A_31 = tpu.memref_slice %arg4[%add3A, %dma_start3A_29, %dma_start3A_30] : memref<32x125x80xi32, #tpu.memory_space<hbm>> -> memref<1x125x80xi32, #tpu.memory_space<hbm>>
      %dma_start3A_32 = tpu.memref_squeeze %dma_start3A_31 : memref<1x125x80xi32, #tpu.memory_space<hbm>> -> memref<125x80xi32, #tpu.memory_space<hbm>>
      %dma_start3A_33 = arith.constant 0 : i32
      %dma_start3A_34 = arith.constant 0 : i32
      %dma_start3A_35 = tpu.memref_slice %arg4[%add3A, %dma_start3A_33, %dma_start3A_34] : memref<32x125x80xi32, #tpu.memory_space<hbm>> -> memref<1x125x80xi32, #tpu.memory_space<hbm>>
      %dma_start3A_36 = tpu.memref_squeeze %dma_start3A_35 : memref<1x125x80xi32, #tpu.memory_space<hbm>> -> memref<125x80xi32, #tpu.memory_space<hbm>>
      tpu.enqueue_dma source(%dma_start3A_36 : memref<125x80xi32, #tpu.memory_space<hbm>>) target(%arg8 : memref<125x80xi32, #tpu.memory_space<vmem>>) target_semaphore(%run_scoped3A : memref<!tpu.dma_semaphore, #tpu.memory_space<semaphore_mem>>)
      %dma_wait3A = arith.constant 0 : i32
      %dma_wait3A_37 = arith.constant 0 : i32
      %dma_wait3A_38 = tpu.memref_slice %arg4[%add3A, %dma_wait3A, %dma_wait3A_37] : memref<32x125x80xi32, #tpu.memory_space<hbm>> -> memref<1x125x80xi32, #tpu.memory_space<hbm>>
      %dma_wait3A_39 = tpu.memref_squeeze %dma_wait3A_38 : memref<1x125x80xi32, #tpu.memory_space<hbm>> -> memref<125x80xi32, #tpu.memory_space<hbm>>
      %dma_wait3A_40 = arith.constant 0 : i32
      %dma_wait3A_41 = arith.constant 0 : i32
      %dma_wait3A_42 = tpu.memref_slice %arg4[%add3A, %dma_wait3A_40, %dma_wait3A_41] : memref<32x125x80xi32, #tpu.memory_space<hbm>> -> memref<1x125x80xi32, #tpu.memory_space<hbm>>
      %dma_wait3A_43 = tpu.memref_squeeze %dma_wait3A_42 : memref<1x125x80xi32, #tpu.memory_space<hbm>> -> memref<125x80xi32, #tpu.memory_space<hbm>>
      tpu.wait_dma2 semaphore(%run_scoped3A : memref<!tpu.dma_semaphore, #tpu.memory_space<semaphore_mem>>) src(%dma_wait3A_43 : memref<125x80xi32, #tpu.memory_space<hbm>>) dst(%arg8 : memref<125x80xi32, #tpu.memory_space<vmem>>)
      tpu.yield
    }) : () -> ()
    %mul3A_1 = arith.constant 640 : i32
    %mul3A_2 = arith.muli %arg1, %mul3A_1 : i32
    %mul3A_3 = arith.constant 640 : i32
    %mul3A_4 = arith.muli %arg1, %mul3A_3 : i32
    "tpu.region"() ({
      %run_scoped3A = tpu.sem_alloc : memref<!tpu.dma_semaphore, #tpu.memory_space<semaphore_mem>>
      %dma_start3A_29 = arith.constant 0 : i32
      %dma_start3A_30 = tpu.memref_slice %arg10[%mul3A_4, %dma_start3A_29] : memref<10240x64xf32, #tpu.memory_space<vmem_shared>> -> memref<640x64xf32, #tpu.memory_space<vmem_shared>>
      %dma_start3A_31 = arith.constant 0 : i32
      %dma_start3A_32 = tpu.memref_slice %arg5[%mul3A_2, %dma_start3A_31] : memref<10240x64xf32, #tpu.memory_space<hbm>> -> memref<640x64xf32, #tpu.memory_space<hbm>>
      tpu.enqueue_dma source(%dma_start3A_32 : memref<640x64xf32, #tpu.memory_space<hbm>>) target(%dma_start3A_30 : memref<640x64xf32, #tpu.memory_space<vmem_shared>>) target_semaphore(%run_scoped3A : memref<!tpu.dma_semaphore, #tpu.memory_space<semaphore_mem>>)
      %dma_wait3A = arith.constant 0 : i32
      %dma_wait3A_33 = tpu.memref_slice %arg10[%mul3A_4, %dma_wait3A] : memref<10240x64xf32, #tpu.memory_space<vmem_shared>> -> memref<640x64xf32, #tpu.memory_space<vmem_shared>>
      %dma_wait3A_34 = arith.constant 0 : i32
      %dma_wait3A_35 = tpu.memref_slice %arg5[%mul3A_2, %dma_wait3A_34] : memref<10240x64xf32, #tpu.memory_space<hbm>> -> memref<640x64xf32, #tpu.memory_space<hbm>>
      tpu.wait_dma2 semaphore(%run_scoped3A : memref<!tpu.dma_semaphore, #tpu.memory_space<semaphore_mem>>) src(%dma_wait3A_35 : memref<640x64xf32, #tpu.memory_space<hbm>>) dst(%dma_wait3A_33 : memref<640x64xf32, #tpu.memory_space<vmem_shared>>)
      tpu.yield
    }) : () -> ()
    %barrier3A = arith.constant 0 : index
    tpu.barrier barrier_id(%barrier3A)
    %dma_start3A = arith.constant 0 : i32
    %dma_start3A_5 = arith.constant 0 : i32
    %dma_start3A_6 = arith.constant 0 : i32
    %dma_start3A_7 = arith.constant 0 : i32
    %dma_start3A_8 = arith.constant 0 : i32
    %dma_start3A_9 = tpu.memref_slice %arg9[%dma_start3A_5, %dma_start3A_7, %dma_start3A_8] : memref<2x80x64xf32, #tpu.memory_space<vmem>> -> memref<1x80x64xf32, #tpu.memory_space<vmem>>
    %dma_start3A_10 = tpu.memref_squeeze %dma_start3A_9 : memref<1x80x64xf32, #tpu.memory_space<vmem>> -> memref<80x64xf32, #tpu.memory_space<vmem>>
    %dma_start3A_11 = arith.constant 0 : i32
    %dma_start3A_12 = tpu.memref_slice %arg7[%dma_start3A, %dma_start3A_11] : memref<125x80xi32, #tpu.memory_space<vmem>> -> memref<1x80xi32, #tpu.memory_space<vmem>>
    %dma_start3A_13 = tpu.memref_squeeze %dma_start3A_12 : memref<1x80xi32, #tpu.memory_space<vmem>> -> memref<80xi32, #tpu.memory_space<vmem>>
    %dma_start3A_14 = arith.constant 0 : i32
    %dma_start3A_15 = arith.constant 0 : i32
    %dma_start3A_16 = tpu.memref_slice %arg2[%dma_start3A_14, %dma_start3A_15] : memref<10000x64xf32, #tpu.memory_space<hbm>> -> memref<10000x64xf32, #tpu.memory_space<hbm>>
    %dma_start3A_17 = tpu.memref_slice %arg11[%dma_start3A_6] : memref<2x!tpu.dma_semaphore, #tpu.memory_space<semaphore_mem>> -> memref<1x!tpu.dma_semaphore, #tpu.memory_space<semaphore_mem>>
    %dma_start3A_18 = tpu.memref_squeeze %dma_start3A_17 : memref<1x!tpu.dma_semaphore, #tpu.memory_space<semaphore_mem>> -> memref<!tpu.dma_semaphore, #tpu.memory_space<semaphore_mem>>
    tpu.enqueue_indirect_dma source(%dma_start3A_16 : memref<10000x64xf32, #tpu.memory_space<hbm>>) target(%dma_start3A_10 : memref<80x64xf32, #tpu.memory_space<vmem>>) offsets(%dma_start3A_13 : memref<80xi32, #tpu.memory_space<vmem>>) semaphore(%dma_start3A_18 : memref<!tpu.dma_semaphore, #tpu.memory_space<semaphore_mem>>)
    %scan3A = arith.constant 0 : i32
    %scan3A_19 = arith.constant 0 : i32
    %scan3A_20 = arith.constant 125 : i32
    %scan3A_21 = arith.addi %scan3A_19, %scan3A_20 : i32
    %scan3A_22 = arith.constant 1 : i32
    scf.for %scan3A_29 = %scan3A_19 to %scan3A_21 step %scan3A_22  : i32 {
      %rem3A = arith.constant 2 : i32
      %rem3A_30 = arith.remsi %scan3A_29, %rem3A : i32
      %add3A_31 = arith.constant 1 : i32
      %add3A_32 = arith.addi %scan3A_29, %add3A_31 : i32
      %lt3A = arith.constant 125 : i32
      %lt3A_33 = arith.cmpi slt, %add3A_32, %lt3A : i32
      %convert_element_type3A = arith.extui %lt3A_33 : i1 to i32
      %cond3A = arith.constant 0 : i32
      %cond3A_34 = arith.cmpi ne, %convert_element_type3A, %cond3A : i32
      scf.if %cond3A_34 {
        %add3A_46 = arith.constant 1 : i32
        %add3A_47 = arith.addi %scan3A_29, %add3A_46 : i32
        %sub3A = arith.constant 1 : i32
        %sub3A_48 = arith.subi %sub3A, %rem3A_30 : i32
        %sub3A_49 = arith.constant 1 : i32
        %sub3A_50 = arith.subi %sub3A_49, %rem3A_30 : i32
        %dma_start3A_51 = arith.constant 0 : i32
        %dma_start3A_52 = arith.constant 0 : i32
        %dma_start3A_53 = tpu.memref_slice %arg9[%sub3A_48, %dma_start3A_51, %dma_start3A_52] : memref<2x80x64xf32, #tpu.memory_space<vmem>> -> memref<1x80x64xf32, #tpu.memory_space<vmem>>
        %dma_start3A_54 = tpu.memref_squeeze %dma_start3A_53 : memref<1x80x64xf32, #tpu.memory_space<vmem>> -> memref<80x64xf32, #tpu.memory_space<vmem>>
        %dma_start3A_55 = arith.constant 0 : i32
        %dma_start3A_56 = tpu.memref_slice %arg7[%add3A_47, %dma_start3A_55] : memref<125x80xi32, #tpu.memory_space<vmem>> -> memref<1x80xi32, #tpu.memory_space<vmem>>
        %dma_start3A_57 = tpu.memref_squeeze %dma_start3A_56 : memref<1x80xi32, #tpu.memory_space<vmem>> -> memref<80xi32, #tpu.memory_space<vmem>>
        %dma_start3A_58 = arith.constant 0 : i32
        %dma_start3A_59 = arith.constant 0 : i32
        %dma_start3A_60 = tpu.memref_slice %arg2[%dma_start3A_58, %dma_start3A_59] : memref<10000x64xf32, #tpu.memory_space<hbm>> -> memref<10000x64xf32, #tpu.memory_space<hbm>>
        %dma_start3A_61 = tpu.memref_slice %arg11[%sub3A_50] : memref<2x!tpu.dma_semaphore, #tpu.memory_space<semaphore_mem>> -> memref<1x!tpu.dma_semaphore, #tpu.memory_space<semaphore_mem>>
        %dma_start3A_62 = tpu.memref_squeeze %dma_start3A_61 : memref<1x!tpu.dma_semaphore, #tpu.memory_space<semaphore_mem>> -> memref<!tpu.dma_semaphore, #tpu.memory_space<semaphore_mem>>
        tpu.enqueue_indirect_dma source(%dma_start3A_60 : memref<10000x64xf32, #tpu.memory_space<hbm>>) target(%dma_start3A_54 : memref<80x64xf32, #tpu.memory_space<vmem>>) offsets(%dma_start3A_57 : memref<80xi32, #tpu.memory_space<vmem>>) semaphore(%dma_start3A_62 : memref<!tpu.dma_semaphore, #tpu.memory_space<semaphore_mem>>)
      } else {
      }
      %dma_wait3A = arith.constant 0 : i32
      %dma_wait3A_35 = arith.constant 0 : i32
      %dma_wait3A_36 = tpu.memref_slice %arg9[%rem3A_30, %dma_wait3A, %dma_wait3A_35] : memref<2x80x64xf32, #tpu.memory_space<vmem>> -> memref<1x80x64xf32, #tpu.memory_space<vmem>>
      %dma_wait3A_37 = tpu.memref_squeeze %dma_wait3A_36 : memref<1x80x64xf32, #tpu.memory_space<vmem>> -> memref<80x64xf32, #tpu.memory_space<vmem>>
      %dma_wait3A_38 = arith.constant 0 : i32
      %dma_wait3A_39 = tpu.memref_slice %arg7[%scan3A_29, %dma_wait3A_38] : memref<125x80xi32, #tpu.memory_space<vmem>> -> memref<1x80xi32, #tpu.memory_space<vmem>>
      %dma_wait3A_40 = tpu.memref_squeeze %dma_wait3A_39 : memref<1x80xi32, #tpu.memory_space<vmem>> -> memref<80xi32, #tpu.memory_space<vmem>>
      %dma_wait3A_41 = arith.constant 0 : i32
      %dma_wait3A_42 = arith.constant 0 : i32
      %dma_wait3A_43 = tpu.memref_slice %arg2[%dma_wait3A_41, %dma_wait3A_42] : memref<10000x64xf32, #tpu.memory_space<hbm>> -> memref<10000x64xf32, #tpu.memory_space<hbm>>
      %dma_wait3A_44 = tpu.memref_slice %arg11[%rem3A_30] : memref<2x!tpu.dma_semaphore, #tpu.memory_space<semaphore_mem>> -> memref<1x!tpu.dma_semaphore, #tpu.memory_space<semaphore_mem>>
      %dma_wait3A_45 = tpu.memref_squeeze %dma_wait3A_44 : memref<1x!tpu.dma_semaphore, #tpu.memory_space<semaphore_mem>> -> memref<!tpu.dma_semaphore, #tpu.memory_space<semaphore_mem>>
      tpu.wait_indirect_dma semaphore(%dma_wait3A_45 : memref<!tpu.dma_semaphore, #tpu.memory_space<semaphore_mem>>) src(%dma_wait3A_43 : memref<10000x64xf32, #tpu.memory_space<hbm>>) dst(%dma_wait3A_37 : memref<80x64xf32, #tpu.memory_space<vmem>>)
      "tpu.region"() ({
        %run_scoped3A = tpu.sem_alloc : memref<!tpu.dma_semaphore, #tpu.memory_space<semaphore_mem>>
        %dma_start3A_46 = arith.constant 0 : i32
        %dma_start3A_47 = arith.constant 0 : i32
        %dma_start3A_48 = tpu.memref_slice %arg9[%rem3A_30, %dma_start3A_46, %dma_start3A_47] : memref<2x80x64xf32, #tpu.memory_space<vmem>> -> memref<1x80x64xf32, #tpu.memory_space<vmem>>
        %dma_start3A_49 = tpu.memref_squeeze %dma_start3A_48 : memref<1x80x64xf32, #tpu.memory_space<vmem>> -> memref<80x64xf32, #tpu.memory_space<vmem>>
        %dma_start3A_50 = arith.constant 0 : i32
        %dma_start3A_51 = tpu.memref_slice %arg8[%scan3A_29, %dma_start3A_50] : memref<125x80xi32, #tpu.memory_space<vmem>> -> memref<1x80xi32, #tpu.memory_space<vmem>>
        %dma_start3A_52 = tpu.memref_squeeze %dma_start3A_51 : memref<1x80xi32, #tpu.memory_space<vmem>> -> memref<80xi32, #tpu.memory_space<vmem>>
        %dma_start3A_53 = arith.constant 0 : i32
        %dma_start3A_54 = arith.constant 0 : i32
        %dma_start3A_55 = tpu.memref_slice %arg10[%dma_start3A_53, %dma_start3A_54] : memref<10240x64xf32, #tpu.memory_space<vmem_shared>> -> memref<10240x64xf32, #tpu.memory_space<vmem_shared>>
        tpu.enqueue_indirect_dma source(%dma_start3A_49 : memref<80x64xf32, #tpu.memory_space<vmem>>) target(%dma_start3A_55 : memref<10240x64xf32, #tpu.memory_space<vmem_shared>>) offsets(%dma_start3A_52 : memref<80xi32, #tpu.memory_space<vmem>>) semaphore(%run_scoped3A : memref<!tpu.dma_semaphore, #tpu.memory_space<semaphore_mem>>) {add = true}
        %dma_wait3A_56 = arith.constant 0 : i32
        %dma_wait3A_57 = arith.constant 0 : i32
        %dma_wait3A_58 = tpu.memref_slice %arg9[%rem3A_30, %dma_wait3A_56, %dma_wait3A_57] : memref<2x80x64xf32, #tpu.memory_space<vmem>> -> memref<1x80x64xf32, #tpu.memory_space<vmem>>
        %dma_wait3A_59 = tpu.memref_squeeze %dma_wait3A_58 : memref<1x80x64xf32, #tpu.memory_space<vmem>> -> memref<80x64xf32, #tpu.memory_space<vmem>>
        %dma_wait3A_60 = arith.constant 0 : i32
        %dma_wait3A_61 = tpu.memref_slice %arg8[%scan3A_29, %dma_wait3A_60] : memref<125x80xi32, #tpu.memory_space<vmem>> -> memref<1x80xi32, #tpu.memory_space<vmem>>
        %dma_wait3A_62 = tpu.memref_squeeze %dma_wait3A_61 : memref<1x80xi32, #tpu.memory_space<vmem>> -> memref<80xi32, #tpu.memory_space<vmem>>
        %dma_wait3A_63 = arith.constant 0 : i32
        %dma_wait3A_64 = arith.constant 0 : i32
        %dma_wait3A_65 = tpu.memref_slice %arg10[%dma_wait3A_63, %dma_wait3A_64] : memref<10240x64xf32, #tpu.memory_space<vmem_shared>> -> memref<10240x64xf32, #tpu.memory_space<vmem_shared>>
        tpu.wait_indirect_dma semaphore(%run_scoped3A : memref<!tpu.dma_semaphore, #tpu.memory_space<semaphore_mem>>) src(%dma_wait3A_59 : memref<80x64xf32, #tpu.memory_space<vmem>>) dst(%dma_wait3A_65 : memref<10240x64xf32, #tpu.memory_space<vmem_shared>>)
        tpu.yield
      }) : () -> ()
    }
    %scan3A_23 = arith.constant 125 : i32
    %barrier3A_24 = arith.constant 0 : index
    tpu.barrier barrier_id(%barrier3A_24)
    %mul3A_25 = arith.constant 640 : i32
    %mul3A_26 = arith.muli %arg1, %mul3A_25 : i32
    %mul3A_27 = arith.constant 640 : i32
    %mul3A_28 = arith.muli %arg1, %mul3A_27 : i32
    "tpu.region"() ({
      %run_scoped3A = tpu.sem_alloc : memref<!tpu.dma_semaphore, #tpu.memory_space<semaphore_mem>>
      %dma_start3A_29 = arith.constant 0 : i32
      %dma_start3A_30 = tpu.memref_slice %arg6[%arg0, %mul3A_28, %dma_start3A_29] : memref<2x10240x64xf32, #tpu.memory_space<hbm>> -> memref<1x640x64xf32, #tpu.memory_space<hbm>>
      %dma_start3A_31 = tpu.memref_squeeze %dma_start3A_30 : memref<1x640x64xf32, #tpu.memory_space<hbm>> -> memref<640x64xf32, #tpu.memory_space<hbm>>
      %dma_start3A_32 = arith.constant 0 : i32
      %dma_start3A_33 = tpu.memref_slice %arg10[%mul3A_26, %dma_start3A_32] : memref<10240x64xf32, #tpu.memory_space<vmem_shared>> -> memref<640x64xf32, #tpu.memory_space<vmem_shared>>
      tpu.enqueue_dma source(%dma_start3A_33 : memref<640x64xf32, #tpu.memory_space<vmem_shared>>) target(%dma_start3A_31 : memref<640x64xf32, #tpu.memory_space<hbm>>) target_semaphore(%run_scoped3A : memref<!tpu.dma_semaphore, #tpu.memory_space<semaphore_mem>>)
      %dma_wait3A = arith.constant 0 : i32
      %dma_wait3A_34 = tpu.memref_slice %arg6[%arg0, %mul3A_28, %dma_wait3A] : memref<2x10240x64xf32, #tpu.memory_space<hbm>> -> memref<1x640x64xf32, #tpu.memory_space<hbm>>
      %dma_wait3A_35 = tpu.memref_squeeze %dma_wait3A_34 : memref<1x640x64xf32, #tpu.memory_space<hbm>> -> memref<640x64xf32, #tpu.memory_space<hbm>>
      %dma_wait3A_36 = arith.constant 0 : i32
      %dma_wait3A_37 = tpu.memref_slice %arg10[%mul3A_26, %dma_wait3A_36] : memref<10240x64xf32, #tpu.memory_space<vmem_shared>> -> memref<640x64xf32, #tpu.memory_space<vmem_shared>>
      tpu.wait_dma2 semaphore(%run_scoped3A : memref<!tpu.dma_semaphore, #tpu.memory_space<semaphore_mem>>) src(%dma_wait3A_37 : memref<640x64xf32, #tpu.memory_space<vmem_shared>>) dst(%dma_wait3A_35 : memref<640x64xf32, #tpu.memory_space<hbm>>)
      tpu.yield
    }) : () -> ()
    return
  }
}

module attributes {stable_mosaic.version = 14 : i64} {
  func.func @_b0_body(%arg0: memref<10000x128xf32, #tpu.memory_space<vmem>>, %arg1: memref<128x128xf32, #tpu.memory_space<vmem>>, %arg2: memref<1x128xf32, #tpu.memory_space<vmem>>, %arg3: memref<128x128xf32, #tpu.memory_space<vmem>>, %arg4: memref<1x128xf32, #tpu.memory_space<vmem>>, %arg5: memref<128x128xf32, #tpu.memory_space<vmem>>, %arg6: memref<128x64xf32, #tpu.memory_space<vmem>>, %arg7: memref<1x64xf32, #tpu.memory_space<vmem>>, %arg8: memref<1x64xf32, #tpu.memory_space<vmem>>, %arg9: memref<1x64xf32, #tpu.memory_space<vmem>>, %arg10: memref<128x32xf32, #tpu.memory_space<vmem>>, %arg11: memref<1x32xf32, #tpu.memory_space<vmem>>, %arg12: memref<1x32xf32, #tpu.memory_space<vmem>>, %arg13: memref<1x32xf32, #tpu.memory_space<vmem>>, %arg14: memref<10000x128xf32, #tpu.memory_space<vmem>>, %arg15: memref<10000x64xf32, #tpu.memory_space<vmem>>, %arg16: memref<10000x32xf32, #tpu.memory_space<vmem>>) attributes {dimension_semantics = [], scalar_prefetch = 0 : i64, scratch_operands = 0 : i64, tpu.core_type = #tpu.core_type<tc>} {
    %get3A = arith.constant 0 : index
    %get3A_0 = arith.constant 0 : index
    %get3A_1 = vector.load %arg0[%get3A, %get3A_0] : memref<10000x128xf32, #tpu.memory_space<vmem>>, vector<10000x128xf32>
    %reduce_sum3A = arith.constant dense<0.000000e+00> : vector<128xf32>
    %reduce_sum3A_2 = vector.multi_reduction <add>, %get3A_1, %reduce_sum3A [0] : vector<10000x128xf32> to vector<128xf32>
    %broadcast_in_dim3A = vector.shape_cast %reduce_sum3A_2 : vector<128xf32> to vector<1x128xf32>
    %div3A = arith.constant 1.000000e+04 : f32
    %div3A_3 = vector.broadcast %div3A : f32 to vector<1x128xf32>
    %div3A_4 = arith.divf %broadcast_in_dim3A, %div3A_3 : vector<1x128xf32>
    %get3A_5 = arith.constant 0 : index
    %get3A_6 = arith.constant 0 : index
    %get3A_7 = vector.load %arg1[%get3A_5, %get3A_6] : memref<128x128xf32, #tpu.memory_space<vmem>>, vector<128x128xf32>
    %dot_general3A = arith.constant dense<0.000000e+00> : vector<1x128xf32>
    %dot_general3A_8 = tpu.matmul %div3A_4, %get3A_7, %dot_general3A {dimension_numbers = #tpu.dot_dimension_numbers<[1], [0], [0], [1], [0, 0, 1, 1], [], []>, transpose_lhs_hint = false} : vector<1x128xf32>, vector<128x128xf32>, vector<1x128xf32> -> vector<1x128xf32>
    %get3A_9 = arith.constant 0 : index
    %get3A_10 = arith.constant 0 : index
    %get3A_11 = vector.load %arg2[%get3A_9, %get3A_10] : memref<1x128xf32, #tpu.memory_space<vmem>>, vector<1x128xf32>
    %add3A = arith.addf %dot_general3A_8, %get3A_11 : vector<1x128xf32>
    %max3A = arith.constant 0.000000e+00 : f32
    %max3A_12 = vector.broadcast %max3A : f32 to vector<1x128xf32>
    %max3A_13 = arith.maximumf %add3A, %max3A_12 : vector<1x128xf32>
    %get3A_14 = arith.constant 0 : index
    %get3A_15 = arith.constant 0 : index
    %get3A_16 = vector.load %arg3[%get3A_14, %get3A_15] : memref<128x128xf32, #tpu.memory_space<vmem>>, vector<128x128xf32>
    %dot_general3A_17 = arith.constant dense<0.000000e+00> : vector<1x128xf32>
    %dot_general3A_18 = tpu.matmul %max3A_13, %get3A_16, %dot_general3A_17 {dimension_numbers = #tpu.dot_dimension_numbers<[1], [0], [0], [1], [0, 0, 1, 1], [], []>, transpose_lhs_hint = false} : vector<1x128xf32>, vector<128x128xf32>, vector<1x128xf32> -> vector<1x128xf32>
    %get3A_19 = arith.constant 0 : index
    %get3A_20 = arith.constant 0 : index
    %get3A_21 = vector.load %arg4[%get3A_19, %get3A_20] : memref<1x128xf32, #tpu.memory_space<vmem>>, vector<1x128xf32>
    %add3A_22 = arith.addf %dot_general3A_18, %get3A_21 : vector<1x128xf32>
    %reduce_max3A = arith.constant dense<0xFF800000> : vector<1xf32>
    %reduce_max3A_23 = vector.multi_reduction <maximumf>, %add3A_22, %reduce_max3A [1] : vector<1x128xf32> to vector<1xf32>
    %broadcast_in_dim3A_24 = vector.shape_cast %reduce_max3A_23 : vector<1xf32> to vector<1x1xf32>
    %sub3A = vector.broadcast %broadcast_in_dim3A_24 : vector<1x1xf32> to vector<1x128xf32>
    %sub3A_25 = arith.subf %add3A_22, %sub3A : vector<1x128xf32>
    %exp3A = math.exp %sub3A_25 : vector<1x128xf32>
    %reduce_sum3A_26 = arith.constant dense<0.000000e+00> : vector<1xf32>
    %reduce_sum3A_27 = vector.multi_reduction <add>, %exp3A, %reduce_sum3A_26 [1] : vector<1x128xf32> to vector<1xf32>
    %broadcast_in_dim3A_28 = vector.shape_cast %reduce_sum3A_27 : vector<1xf32> to vector<1x1xf32>
    %div3A_29 = vector.broadcast %broadcast_in_dim3A_28 : vector<1x1xf32> to vector<1x128xf32>
    %div3A_30 = arith.divf %exp3A, %div3A_29 : vector<1x128xf32>
    %get3A_31 = arith.constant 0 : index
    %get3A_32 = arith.constant 0 : index
    %get3A_33 = vector.load %arg5[%get3A_31, %get3A_32] : memref<128x128xf32, #tpu.memory_space<vmem>>, vector<128x128xf32>
    %dot_general3A_34 = arith.constant dense<0.000000e+00> : vector<1x128xf32>
    %dot_general3A_35 = tpu.matmul %div3A_30, %get3A_33, %dot_general3A_34 {dimension_numbers = #tpu.dot_dimension_numbers<[1], [0], [0], [1], [0, 0, 1, 1], [], []>, transpose_lhs_hint = false} : vector<1x128xf32>, vector<128x128xf32>, vector<1x128xf32> -> vector<1x128xf32>
    %mul3A = vector.broadcast %dot_general3A_35 : vector<1x128xf32> to vector<10000x128xf32>
    %mul3A_36 = arith.mulf %get3A_1, %mul3A : vector<10000x128xf32>
    %swap3A = arith.constant 0 : index
    %swap3A_37 = arith.constant 0 : index
    %swap3A_38 = vector.load %arg14[%swap3A, %swap3A_37] : memref<10000x128xf32, #tpu.memory_space<vmem>>, vector<10000x128xf32>
    tpu.vector_store %arg14[%swap3A, %swap3A_37], %mul3A_36 {strides = array<i32>} : memref<10000x128xf32, #tpu.memory_space<vmem>>, vector<10000x128xf32>,
    %get3A_39 = arith.constant 0 : index
    %get3A_40 = arith.constant 0 : index
    %get3A_41 = vector.load %arg6[%get3A_39, %get3A_40] : memref<128x64xf32, #tpu.memory_space<vmem>>, vector<128x64xf32>
    %dot_general3A_42 = arith.constant dense<0.000000e+00> : vector<10000x64xf32>
    %dot_general3A_43 = tpu.matmul %get3A_1, %get3A_41, %dot_general3A_42 {dimension_numbers = #tpu.dot_dimension_numbers<[1], [0], [0], [1], [0, 0, 1, 1], [], []>, transpose_lhs_hint = false} : vector<10000x128xf32>, vector<128x64xf32>, vector<10000x64xf32> -> vector<10000x64xf32>
    %get3A_44 = arith.constant 0 : index
    %get3A_45 = arith.constant 0 : index
    %get3A_46 = vector.load %arg7[%get3A_44, %get3A_45] : memref<1x64xf32, #tpu.memory_space<vmem>>, vector<1x64xf32>
    %add3A_47 = vector.broadcast %get3A_46 : vector<1x64xf32> to vector<10000x64xf32>
    %add3A_48 = arith.addf %dot_general3A_43, %add3A_47 : vector<10000x64xf32>
    %max3A_49 = arith.constant 0.000000e+00 : f32
    %max3A_50 = vector.broadcast %max3A_49 : f32 to vector<10000x64xf32>
    %max3A_51 = arith.maximumf %add3A_48, %max3A_50 : vector<10000x64xf32>
    %get3A_52 = arith.constant 0 : index
    %get3A_53 = arith.constant 0 : index
    %get3A_54 = vector.load %arg8[%get3A_52, %get3A_53] : memref<1x64xf32, #tpu.memory_space<vmem>>, vector<1x64xf32>
    %get3A_55 = arith.constant 0 : index
    %get3A_56 = arith.constant 0 : index
    %get3A_57 = vector.load %arg9[%get3A_55, %get3A_56] : memref<1x64xf32, #tpu.memory_space<vmem>>, vector<1x64xf32>
    %reduce_sum3A_58 = arith.constant dense<0.000000e+00> : vector<64xf32>
    %reduce_sum3A_59 = vector.multi_reduction <add>, %max3A_51, %reduce_sum3A_58 [0] : vector<10000x64xf32> to vector<64xf32>
    %broadcast_in_dim3A_60 = vector.shape_cast %reduce_sum3A_59 : vector<64xf32> to vector<1x64xf32>
    %div3A_61 = arith.constant 1.000000e+04 : f32
    %div3A_62 = vector.broadcast %div3A_61 : f32 to vector<1x64xf32>
    %div3A_63 = arith.divf %broadcast_in_dim3A_60, %div3A_62 : vector<1x64xf32>
    %sub3A_64 = vector.broadcast %div3A_63 : vector<1x64xf32> to vector<10000x64xf32>
    %sub3A_65 = arith.subf %max3A_51, %sub3A_64 : vector<10000x64xf32>
    %integer_pow3A = arith.mulf %sub3A_65, %sub3A_65 : vector<10000x64xf32>
    %reduce_sum3A_66 = arith.constant dense<0.000000e+00> : vector<64xf32>
    %reduce_sum3A_67 = vector.multi_reduction <add>, %integer_pow3A, %reduce_sum3A_66 [0] : vector<10000x64xf32> to vector<64xf32>
    %broadcast_in_dim3A_68 = vector.shape_cast %reduce_sum3A_67 : vector<64xf32> to vector<1x64xf32>
    %div3A_69 = arith.constant 1.000000e+04 : f32
    %div3A_70 = vector.broadcast %div3A_69 : f32 to vector<1x64xf32>
    %div3A_71 = arith.divf %broadcast_in_dim3A_68, %div3A_70 : vector<1x64xf32>
    %sub3A_72 = vector.broadcast %div3A_63 : vector<1x64xf32> to vector<10000x64xf32>
    %sub3A_73 = arith.subf %max3A_51, %sub3A_72 : vector<10000x64xf32>
    %add3A_74 = arith.constant 9.99999974E-6 : f32
    %add3A_75 = vector.broadcast %add3A_74 : f32 to vector<1x64xf32>
    %add3A_76 = arith.addf %div3A_71, %add3A_75 : vector<1x64xf32>
    %rsqrt3A = math.rsqrt %add3A_76 : vector<1x64xf32>
    %mul3A_77 = vector.broadcast %rsqrt3A : vector<1x64xf32> to vector<10000x64xf32>
    %mul3A_78 = arith.mulf %sub3A_73, %mul3A_77 : vector<10000x64xf32>
    %mul3A_79 = vector.broadcast %get3A_54 : vector<1x64xf32> to vector<10000x64xf32>
    %mul3A_80 = arith.mulf %mul3A_78, %mul3A_79 : vector<10000x64xf32>
    %add3A_81 = vector.broadcast %get3A_57 : vector<1x64xf32> to vector<10000x64xf32>
    %add3A_82 = arith.addf %mul3A_80, %add3A_81 : vector<10000x64xf32>
    %swap3A_83 = arith.constant 0 : index
    %swap3A_84 = arith.constant 0 : index
    %swap3A_85 = vector.load %arg15[%swap3A_83, %swap3A_84] : memref<10000x64xf32, #tpu.memory_space<vmem>>, vector<10000x64xf32>
    tpu.vector_store %arg15[%swap3A_83, %swap3A_84], %add3A_82 {strides = array<i32>} : memref<10000x64xf32, #tpu.memory_space<vmem>>, vector<10000x64xf32>,
    %get3A_86 = arith.constant 0 : index
    %get3A_87 = arith.constant 0 : index
    %get3A_88 = vector.load %arg10[%get3A_86, %get3A_87] : memref<128x32xf32, #tpu.memory_space<vmem>>, vector<128x32xf32>
    %dot_general3A_89 = arith.constant dense<0.000000e+00> : vector<10000x32xf32>
    %dot_general3A_90 = tpu.matmul %get3A_1, %get3A_88, %dot_general3A_89 {dimension_numbers = #tpu.dot_dimension_numbers<[1], [0], [0], [1], [0, 0, 1, 1], [], []>, transpose_lhs_hint = false} : vector<10000x128xf32>, vector<128x32xf32>, vector<10000x32xf32> -> vector<10000x32xf32>
    %get3A_91 = arith.constant 0 : index
    %get3A_92 = arith.constant 0 : index
    %get3A_93 = vector.load %arg11[%get3A_91, %get3A_92] : memref<1x32xf32, #tpu.memory_space<vmem>>, vector<1x32xf32>
    %add3A_94 = vector.broadcast %get3A_93 : vector<1x32xf32> to vector<10000x32xf32>
    %add3A_95 = arith.addf %dot_general3A_90, %add3A_94 : vector<10000x32xf32>
    %max3A_96 = arith.constant 0.000000e+00 : f32
    %max3A_97 = vector.broadcast %max3A_96 : f32 to vector<10000x32xf32>
    %max3A_98 = arith.maximumf %add3A_95, %max3A_97 : vector<10000x32xf32>
    %get3A_99 = arith.constant 0 : index
    %get3A_100 = arith.constant 0 : index
    %get3A_101 = vector.load %arg12[%get3A_99, %get3A_100] : memref<1x32xf32, #tpu.memory_space<vmem>>, vector<1x32xf32>
    %get3A_102 = arith.constant 0 : index
    %get3A_103 = arith.constant 0 : index
    %get3A_104 = vector.load %arg13[%get3A_102, %get3A_103] : memref<1x32xf32, #tpu.memory_space<vmem>>, vector<1x32xf32>
    %reduce_sum3A_105 = arith.constant dense<0.000000e+00> : vector<32xf32>
    %reduce_sum3A_106 = vector.multi_reduction <add>, %max3A_98, %reduce_sum3A_105 [0] : vector<10000x32xf32> to vector<32xf32>
    %broadcast_in_dim3A_107 = vector.shape_cast %reduce_sum3A_106 : vector<32xf32> to vector<1x32xf32>
    %div3A_108 = arith.constant 1.000000e+04 : f32
    %div3A_109 = vector.broadcast %div3A_108 : f32 to vector<1x32xf32>
    %div3A_110 = arith.divf %broadcast_in_dim3A_107, %div3A_109 : vector<1x32xf32>
    %sub3A_111 = vector.broadcast %div3A_110 : vector<1x32xf32> to vector<10000x32xf32>
    %sub3A_112 = arith.subf %max3A_98, %sub3A_111 : vector<10000x32xf32>
    %integer_pow3A_113 = arith.mulf %sub3A_112, %sub3A_112 : vector<10000x32xf32>
    %reduce_sum3A_114 = arith.constant dense<0.000000e+00> : vector<32xf32>
    %reduce_sum3A_115 = vector.multi_reduction <add>, %integer_pow3A_113, %reduce_sum3A_114 [0] : vector<10000x32xf32> to vector<32xf32>
    %broadcast_in_dim3A_116 = vector.shape_cast %reduce_sum3A_115 : vector<32xf32> to vector<1x32xf32>
    %div3A_117 = arith.constant 1.000000e+04 : f32
    %div3A_118 = vector.broadcast %div3A_117 : f32 to vector<1x32xf32>
    %div3A_119 = arith.divf %broadcast_in_dim3A_116, %div3A_118 : vector<1x32xf32>
    %sub3A_120 = vector.broadcast %div3A_110 : vector<1x32xf32> to vector<10000x32xf32>
    %sub3A_121 = arith.subf %max3A_98, %sub3A_120 : vector<10000x32xf32>
    %add3A_122 = arith.constant 9.99999974E-6 : f32
    %add3A_123 = vector.broadcast %add3A_122 : f32 to vector<1x32xf32>
    %add3A_124 = arith.addf %div3A_119, %add3A_123 : vector<1x32xf32>
    %rsqrt3A_125 = math.rsqrt %add3A_124 : vector<1x32xf32>
    %mul3A_126 = vector.broadcast %rsqrt3A_125 : vector<1x32xf32> to vector<10000x32xf32>
    %mul3A_127 = arith.mulf %sub3A_121, %mul3A_126 : vector<10000x32xf32>
    %mul3A_128 = vector.broadcast %get3A_101 : vector<1x32xf32> to vector<10000x32xf32>
    %mul3A_129 = arith.mulf %mul3A_127, %mul3A_128 : vector<10000x32xf32>
    %add3A_130 = vector.broadcast %get3A_104 : vector<1x32xf32> to vector<10000x32xf32>
    %add3A_131 = arith.addf %mul3A_129, %add3A_130 : vector<10000x32xf32>
    %swap3A_132 = arith.constant 0 : index
    %swap3A_133 = arith.constant 0 : index
    %swap3A_134 = vector.load %arg16[%swap3A_132, %swap3A_133] : memref<10000x32xf32, #tpu.memory_space<vmem>>, vector<10000x32xf32>
    tpu.vector_store %arg16[%swap3A_132, %swap3A_133], %add3A_131 {strides = array<i32>} : memref<10000x32xf32, #tpu.memory_space<vmem>>, vector<10000x32xf32>,
    return
  }
}

module attributes {stable_mosaic.version = 14 : i64} {
  func.func @_b1_body(%arg0: memref<10000x128xf32, #tpu.memory_space<vmem>>, %arg1: memref<2x10240x16xf32, #tpu.memory_space<vmem>>, %arg2: memref<10000x1xf32, #tpu.memory_space<vmem>>, %arg3: memref<10000x128xf32, #tpu.memory_space<vmem>>) attributes {dimension_semantics = [], scalar_prefetch = 0 : i64, scratch_operands = 0 : i64, tpu.core_type = #tpu.core_type<tc>} {
    %get3A = arith.constant 0 : index
    %get3A_0 = arith.constant 0 : index
    %get3A_1 = arith.constant 0 : index
    %get3A_2 = vector.load %arg1[%get3A, %get3A_0, %get3A_1] : memref<2x10240x16xf32, #tpu.memory_space<vmem>>, vector<1x10000x1xf32>
    %get3A_3 = vector.shape_cast %get3A_2 : vector<1x10000x1xf32> to vector<10000x1xf32>
    %get3A_4 = arith.constant 1 : index
    %get3A_5 = arith.constant 0 : index
    %get3A_6 = arith.constant 0 : index
    %get3A_7 = vector.load %arg1[%get3A_4, %get3A_5, %get3A_6] : memref<2x10240x16xf32, #tpu.memory_space<vmem>>, vector<1x10000x1xf32>
    %get3A_8 = vector.shape_cast %get3A_7 : vector<1x10000x1xf32> to vector<10000x1xf32>
    %add3A = arith.addf %get3A_3, %get3A_8 : vector<10000x1xf32>
    %gt3A = arith.constant 0.000000e+00 : f32
    %gt3A_9 = vector.broadcast %gt3A : f32 to vector<10000x1xf32>
    %gt3A_10 = arith.cmpf ogt, %add3A, %gt3A_9 : vector<10000x1xf32>
    %max3A = arith.constant 1.000000e-30 : f32
    %max3A_11 = vector.broadcast %max3A : f32 to vector<10000x1xf32>
    %max3A_12 = arith.maximumf %add3A, %max3A_11 : vector<10000x1xf32>
    %rsqrt3A = math.rsqrt %max3A_12 : vector<10000x1xf32>
    %jit3A = arith.constant 0.000000e+00 : f32
    %broadcast_in_dim3A = vector.broadcast %jit3A : f32 to vector<10000x1xf32>
    %select_n3A = arith.select %gt3A_10, %rsqrt3A, %broadcast_in_dim3A : vector<10000x1xi1>, vector<10000x1xf32>
    %swap3A = arith.constant 0 : index
    %swap3A_13 = arith.constant 0 : index
    %swap3A_14 = vector.load %arg2[%swap3A, %swap3A_13] : memref<10000x1xf32, #tpu.memory_space<vmem>>, vector<10000x1xf32>
    tpu.vector_store %arg2[%swap3A, %swap3A_13], %select_n3A {strides = array<i32>} : memref<10000x1xf32, #tpu.memory_space<vmem>>, vector<10000x1xf32>,
    %get3A_15 = arith.constant 0 : index
    %get3A_16 = arith.constant 0 : index
    %get3A_17 = vector.load %arg0[%get3A_15, %get3A_16] : memref<10000x128xf32, #tpu.memory_space<vmem>>, vector<10000x128xf32>
    %mul3A = vector.broadcast %select_n3A : vector<10000x1xf32> to vector<10000x128xf32>
    %mul3A_18 = arith.mulf %get3A_17, %mul3A : vector<10000x128xf32>
    %swap3A_19 = arith.constant 0 : index
    %swap3A_20 = arith.constant 0 : index
    %swap3A_21 = vector.load %arg3[%swap3A_19, %swap3A_20] : memref<10000x128xf32, #tpu.memory_space<vmem>>, vector<10000x128xf32>
    tpu.vector_store %arg3[%swap3A_19, %swap3A_20], %mul3A_18 {strides = array<i32>} : memref<10000x128xf32, #tpu.memory_space<vmem>>, vector<10000x128xf32>,
    return
  }
}

module attributes {stable_mosaic.version = 14 : i64} {
  func.func @_d1_body(%arg0: memref<10000x128xf32, #tpu.memory_space<vmem>>, %arg1: memref<2x10240x128xf32, #tpu.memory_space<vmem>>, %arg2: memref<10000x1xf32, #tpu.memory_space<vmem>>, %arg3: memref<128x128xf32, #tpu.memory_space<vmem>>, %arg4: memref<128x128xf32, #tpu.memory_space<vmem>>, %arg5: memref<1x128xf32, #tpu.memory_space<vmem>>, %arg6: memref<1x128xf32, #tpu.memory_space<vmem>>, %arg7: memref<1x128xf32, #tpu.memory_space<vmem>>, %arg8: memref<10000x128xf32, #tpu.memory_space<vmem>>, %arg9: memref<10000x128xf32, #tpu.memory_space<vmem>>) attributes {dimension_semantics = [], scalar_prefetch = 0 : i64, scratch_operands = 0 : i64, tpu.core_type = #tpu.core_type<tc>} {
    %get3A = arith.constant 0 : index
    %get3A_0 = arith.constant 0 : index
    %get3A_1 = vector.load %arg2[%get3A, %get3A_0] : memref<10000x1xf32, #tpu.memory_space<vmem>>, vector<10000x1xf32>
    %get3A_2 = arith.constant 0 : index
    %get3A_3 = arith.constant 0 : index
    %get3A_4 = arith.constant 0 : index
    %get3A_5 = vector.load %arg1[%get3A_2, %get3A_3, %get3A_4] : memref<2x10240x128xf32, #tpu.memory_space<vmem>>, vector<1x10000x128xf32>
    %get3A_6 = vector.shape_cast %get3A_5 : vector<1x10000x128xf32> to vector<10000x128xf32>
    %get3A_7 = arith.constant 1 : index
    %get3A_8 = arith.constant 0 : index
    %get3A_9 = arith.constant 0 : index
    %get3A_10 = vector.load %arg1[%get3A_7, %get3A_8, %get3A_9] : memref<2x10240x128xf32, #tpu.memory_space<vmem>>, vector<1x10000x128xf32>
    %get3A_11 = vector.shape_cast %get3A_10 : vector<1x10000x128xf32> to vector<10000x128xf32>
    %add3A = arith.addf %get3A_6, %get3A_11 : vector<10000x128xf32>
    %neg3A = arith.constant 0.000000e+00 : f32
    %neg3A_12 = vector.broadcast %neg3A : f32 to vector<10000x1xf32>
    %neg3A_13 = arith.subf %neg3A_12, %get3A_1 : vector<10000x1xf32>
    %mul3A = vector.broadcast %neg3A_13 : vector<10000x1xf32> to vector<10000x128xf32>
    %mul3A_14 = arith.mulf %add3A, %mul3A : vector<10000x128xf32>
    %get3A_15 = arith.constant 0 : index
    %get3A_16 = arith.constant 0 : index
    %get3A_17 = vector.load %arg0[%get3A_15, %get3A_16] : memref<10000x128xf32, #tpu.memory_space<vmem>>, vector<10000x128xf32>
    %get3A_18 = arith.constant 0 : index
    %get3A_19 = arith.constant 0 : index
    %get3A_20 = vector.load %arg3[%get3A_18, %get3A_19] : memref<128x128xf32, #tpu.memory_space<vmem>>, vector<128x128xf32>
    %dot_general3A = arith.constant dense<0.000000e+00> : vector<10000x128xf32>
    %dot_general3A_21 = tpu.matmul %get3A_17, %get3A_20, %dot_general3A {dimension_numbers = #tpu.dot_dimension_numbers<[1], [0], [0], [1], [0, 0, 1, 1], [], []>, transpose_lhs_hint = false} : vector<10000x128xf32>, vector<128x128xf32>, vector<10000x128xf32> -> vector<10000x128xf32>
    %get3A_22 = arith.constant 0 : index
    %get3A_23 = arith.constant 0 : index
    %get3A_24 = vector.load %arg4[%get3A_22, %get3A_23] : memref<128x128xf32, #tpu.memory_space<vmem>>, vector<128x128xf32>
    %dot_general3A_25 = arith.constant dense<0.000000e+00> : vector<10000x128xf32>
    %dot_general3A_26 = tpu.matmul %mul3A_14, %get3A_24, %dot_general3A_25 {dimension_numbers = #tpu.dot_dimension_numbers<[1], [0], [0], [1], [0, 0, 1, 1], [], []>, transpose_lhs_hint = false} : vector<10000x128xf32>, vector<128x128xf32>, vector<10000x128xf32> -> vector<10000x128xf32>
    %add3A_27 = arith.addf %dot_general3A_21, %dot_general3A_26 : vector<10000x128xf32>
    %get3A_28 = arith.constant 0 : index
    %get3A_29 = arith.constant 0 : index
    %get3A_30 = vector.load %arg5[%get3A_28, %get3A_29] : memref<1x128xf32, #tpu.memory_space<vmem>>, vector<1x128xf32>
    %add3A_31 = vector.broadcast %get3A_30 : vector<1x128xf32> to vector<10000x128xf32>
    %add3A_32 = arith.addf %add3A_27, %add3A_31 : vector<10000x128xf32>
    %get3A_33 = arith.constant 0 : index
    %get3A_34 = arith.constant 0 : index
    %get3A_35 = vector.load %arg6[%get3A_33, %get3A_34] : memref<1x128xf32, #tpu.memory_space<vmem>>, vector<1x128xf32>
    %get3A_36 = arith.constant 0 : index
    %get3A_37 = arith.constant 0 : index
    %get3A_38 = vector.load %arg7[%get3A_36, %get3A_37] : memref<1x128xf32, #tpu.memory_space<vmem>>, vector<1x128xf32>
    %reduce_sum3A = arith.constant dense<0.000000e+00> : vector<128xf32>
    %reduce_sum3A_39 = vector.multi_reduction <add>, %add3A_32, %reduce_sum3A [0] : vector<10000x128xf32> to vector<128xf32>
    %broadcast_in_dim3A = vector.shape_cast %reduce_sum3A_39 : vector<128xf32> to vector<1x128xf32>
    %div3A = arith.constant 1.000000e+04 : f32
    %div3A_40 = vector.broadcast %div3A : f32 to vector<1x128xf32>
    %div3A_41 = arith.divf %broadcast_in_dim3A, %div3A_40 : vector<1x128xf32>
    %sub3A = vector.broadcast %div3A_41 : vector<1x128xf32> to vector<10000x128xf32>
    %sub3A_42 = arith.subf %add3A_32, %sub3A : vector<10000x128xf32>
    %integer_pow3A = arith.mulf %sub3A_42, %sub3A_42 : vector<10000x128xf32>
    %reduce_sum3A_43 = arith.constant dense<0.000000e+00> : vector<128xf32>
    %reduce_sum3A_44 = vector.multi_reduction <add>, %integer_pow3A, %reduce_sum3A_43 [0] : vector<10000x128xf32> to vector<128xf32>
    %broadcast_in_dim3A_45 = vector.shape_cast %reduce_sum3A_44 : vector<128xf32> to vector<1x128xf32>
    %div3A_46 = arith.constant 1.000000e+04 : f32
    %div3A_47 = vector.broadcast %div3A_46 : f32 to vector<1x128xf32>
    %div3A_48 = arith.divf %broadcast_in_dim3A_45, %div3A_47 : vector<1x128xf32>
    %sub3A_49 = vector.broadcast %div3A_41 : vector<1x128xf32> to vector<10000x128xf32>
    %sub3A_50 = arith.subf %add3A_32, %sub3A_49 : vector<10000x128xf32>
    %add3A_51 = arith.constant 9.99999974E-6 : f32
    %add3A_52 = vector.broadcast %add3A_51 : f32 to vector<1x128xf32>
    %add3A_53 = arith.addf %div3A_48, %add3A_52 : vector<1x128xf32>
    %rsqrt3A = math.rsqrt %add3A_53 : vector<1x128xf32>
    %mul3A_54 = vector.broadcast %rsqrt3A : vector<1x128xf32> to vector<10000x128xf32>
    %mul3A_55 = arith.mulf %sub3A_50, %mul3A_54 : vector<10000x128xf32>
    %mul3A_56 = vector.broadcast %get3A_35 : vector<1x128xf32> to vector<10000x128xf32>
    %mul3A_57 = arith.mulf %mul3A_55, %mul3A_56 : vector<10000x128xf32>
    %add3A_58 = vector.broadcast %get3A_38 : vector<1x128xf32> to vector<10000x128xf32>
    %add3A_59 = arith.addf %mul3A_57, %add3A_58 : vector<10000x128xf32>
    %max3A = arith.constant 0.000000e+00 : f32
    %max3A_60 = vector.broadcast %max3A : f32 to vector<10000x128xf32>
    %max3A_61 = arith.maximumf %add3A_59, %max3A_60 : vector<10000x128xf32>
    %swap3A = arith.constant 0 : index
    %swap3A_62 = arith.constant 0 : index
    %swap3A_63 = vector.load %arg8[%swap3A, %swap3A_62] : memref<10000x128xf32, #tpu.memory_space<vmem>>, vector<10000x128xf32>
    tpu.vector_store %arg8[%swap3A, %swap3A_62], %max3A_61 {strides = array<i32>} : memref<10000x128xf32, #tpu.memory_space<vmem>>, vector<10000x128xf32>,
    %mul3A_64 = vector.broadcast %get3A_1 : vector<10000x1xf32> to vector<10000x128xf32>
    %mul3A_65 = arith.mulf %max3A_61, %mul3A_64 : vector<10000x128xf32>
    %swap3A_66 = arith.constant 0 : index
    %swap3A_67 = arith.constant 0 : index
    %swap3A_68 = vector.load %arg9[%swap3A_66, %swap3A_67] : memref<10000x128xf32, #tpu.memory_space<vmem>>, vector<10000x128xf32>
    tpu.vector_store %arg9[%swap3A_66, %swap3A_67], %mul3A_65 {strides = array<i32>} : memref<10000x128xf32, #tpu.memory_space<vmem>>, vector<10000x128xf32>,
    return
  }
}

module attributes {stable_mosaic.version = 14 : i64} {
  func.func @_d2_body(%arg0: memref<10000x128xf32, #tpu.memory_space<vmem>>, %arg1: memref<2x10240x128xf32, #tpu.memory_space<vmem>>, %arg2: memref<10000x1xf32, #tpu.memory_space<vmem>>, %arg3: memref<128x64xf32, #tpu.memory_space<vmem>>, %arg4: memref<128x64xf32, #tpu.memory_space<vmem>>, %arg5: memref<1x64xf32, #tpu.memory_space<vmem>>, %arg6: memref<1x64xf32, #tpu.memory_space<vmem>>, %arg7: memref<1x64xf32, #tpu.memory_space<vmem>>, %arg8: memref<10000x64xf32, #tpu.memory_space<vmem>>, %arg9: memref<1x1xf32, #tpu.memory_space<vmem>>, %arg10: memref<10000x64xf32, #tpu.memory_space<vmem>>, %arg11: memref<10000x64xf32, #tpu.memory_space<vmem>>) attributes {dimension_semantics = [], scalar_prefetch = 0 : i64, scratch_operands = 0 : i64, tpu.core_type = #tpu.core_type<tc>} {
    %get3A = arith.constant 0 : index
    %get3A_0 = arith.constant 0 : index
    %get3A_1 = vector.load %arg2[%get3A, %get3A_0] : memref<10000x1xf32, #tpu.memory_space<vmem>>, vector<10000x1xf32>
    %get3A_2 = arith.constant 0 : index
    %get3A_3 = arith.constant 0 : index
    %get3A_4 = arith.constant 0 : index
    %get3A_5 = vector.load %arg1[%get3A_2, %get3A_3, %get3A_4] : memref<2x10240x128xf32, #tpu.memory_space<vmem>>, vector<1x10000x128xf32>
    %get3A_6 = vector.shape_cast %get3A_5 : vector<1x10000x128xf32> to vector<10000x128xf32>
    %get3A_7 = arith.constant 1 : index
    %get3A_8 = arith.constant 0 : index
    %get3A_9 = arith.constant 0 : index
    %get3A_10 = vector.load %arg1[%get3A_7, %get3A_8, %get3A_9] : memref<2x10240x128xf32, #tpu.memory_space<vmem>>, vector<1x10000x128xf32>
    %get3A_11 = vector.shape_cast %get3A_10 : vector<1x10000x128xf32> to vector<10000x128xf32>
    %add3A = arith.addf %get3A_6, %get3A_11 : vector<10000x128xf32>
    %neg3A = arith.constant 0.000000e+00 : f32
    %neg3A_12 = vector.broadcast %neg3A : f32 to vector<10000x1xf32>
    %neg3A_13 = arith.subf %neg3A_12, %get3A_1 : vector<10000x1xf32>
    %mul3A = vector.broadcast %neg3A_13 : vector<10000x1xf32> to vector<10000x128xf32>
    %mul3A_14 = arith.mulf %add3A, %mul3A : vector<10000x128xf32>
    %get3A_15 = arith.constant 0 : index
    %get3A_16 = arith.constant 0 : index
    %get3A_17 = vector.load %arg0[%get3A_15, %get3A_16] : memref<10000x128xf32, #tpu.memory_space<vmem>>, vector<10000x128xf32>
    %get3A_18 = arith.constant 0 : index
    %get3A_19 = arith.constant 0 : index
    %get3A_20 = vector.load %arg3[%get3A_18, %get3A_19] : memref<128x64xf32, #tpu.memory_space<vmem>>, vector<128x64xf32>
    %dot_general3A = arith.constant dense<0.000000e+00> : vector<10000x64xf32>
    %dot_general3A_21 = tpu.matmul %get3A_17, %get3A_20, %dot_general3A {dimension_numbers = #tpu.dot_dimension_numbers<[1], [0], [0], [1], [0, 0, 1, 1], [], []>, transpose_lhs_hint = false} : vector<10000x128xf32>, vector<128x64xf32>, vector<10000x64xf32> -> vector<10000x64xf32>
    %get3A_22 = arith.constant 0 : index
    %get3A_23 = arith.constant 0 : index
    %get3A_24 = vector.load %arg4[%get3A_22, %get3A_23] : memref<128x64xf32, #tpu.memory_space<vmem>>, vector<128x64xf32>
    %dot_general3A_25 = arith.constant dense<0.000000e+00> : vector<10000x64xf32>
    %dot_general3A_26 = tpu.matmul %mul3A_14, %get3A_24, %dot_general3A_25 {dimension_numbers = #tpu.dot_dimension_numbers<[1], [0], [0], [1], [0, 0, 1, 1], [], []>, transpose_lhs_hint = false} : vector<10000x128xf32>, vector<128x64xf32>, vector<10000x64xf32> -> vector<10000x64xf32>
    %add3A_27 = arith.addf %dot_general3A_21, %dot_general3A_26 : vector<10000x64xf32>
    %get3A_28 = arith.constant 0 : index
    %get3A_29 = arith.constant 0 : index
    %get3A_30 = vector.load %arg5[%get3A_28, %get3A_29] : memref<1x64xf32, #tpu.memory_space<vmem>>, vector<1x64xf32>
    %add3A_31 = vector.broadcast %get3A_30 : vector<1x64xf32> to vector<10000x64xf32>
    %add3A_32 = arith.addf %add3A_27, %add3A_31 : vector<10000x64xf32>
    %get3A_33 = arith.constant 0 : index
    %get3A_34 = arith.constant 0 : index
    %get3A_35 = vector.load %arg6[%get3A_33, %get3A_34] : memref<1x64xf32, #tpu.memory_space<vmem>>, vector<1x64xf32>
    %get3A_36 = arith.constant 0 : index
    %get3A_37 = arith.constant 0 : index
    %get3A_38 = vector.load %arg7[%get3A_36, %get3A_37] : memref<1x64xf32, #tpu.memory_space<vmem>>, vector<1x64xf32>
    %reduce_sum3A = arith.constant dense<0.000000e+00> : vector<64xf32>
    %reduce_sum3A_39 = vector.multi_reduction <add>, %add3A_32, %reduce_sum3A [0] : vector<10000x64xf32> to vector<64xf32>
    %broadcast_in_dim3A = vector.shape_cast %reduce_sum3A_39 : vector<64xf32> to vector<1x64xf32>
    %div3A = arith.constant 1.000000e+04 : f32
    %div3A_40 = vector.broadcast %div3A : f32 to vector<1x64xf32>
    %div3A_41 = arith.divf %broadcast_in_dim3A, %div3A_40 : vector<1x64xf32>
    %sub3A = vector.broadcast %div3A_41 : vector<1x64xf32> to vector<10000x64xf32>
    %sub3A_42 = arith.subf %add3A_32, %sub3A : vector<10000x64xf32>
    %integer_pow3A = arith.mulf %sub3A_42, %sub3A_42 : vector<10000x64xf32>
    %reduce_sum3A_43 = arith.constant dense<0.000000e+00> : vector<64xf32>
    %reduce_sum3A_44 = vector.multi_reduction <add>, %integer_pow3A, %reduce_sum3A_43 [0] : vector<10000x64xf32> to vector<64xf32>
    %broadcast_in_dim3A_45 = vector.shape_cast %reduce_sum3A_44 : vector<64xf32> to vector<1x64xf32>
    %div3A_46 = arith.constant 1.000000e+04 : f32
    %div3A_47 = vector.broadcast %div3A_46 : f32 to vector<1x64xf32>
    %div3A_48 = arith.divf %broadcast_in_dim3A_45, %div3A_47 : vector<1x64xf32>
    %sub3A_49 = vector.broadcast %div3A_41 : vector<1x64xf32> to vector<10000x64xf32>
    %sub3A_50 = arith.subf %add3A_32, %sub3A_49 : vector<10000x64xf32>
    %add3A_51 = arith.constant 9.99999974E-6 : f32
    %add3A_52 = vector.broadcast %add3A_51 : f32 to vector<1x64xf32>
    %add3A_53 = arith.addf %div3A_48, %add3A_52 : vector<1x64xf32>
    %rsqrt3A = math.rsqrt %add3A_53 : vector<1x64xf32>
    %mul3A_54 = vector.broadcast %rsqrt3A : vector<1x64xf32> to vector<10000x64xf32>
    %mul3A_55 = arith.mulf %sub3A_50, %mul3A_54 : vector<10000x64xf32>
    %mul3A_56 = vector.broadcast %get3A_35 : vector<1x64xf32> to vector<10000x64xf32>
    %mul3A_57 = arith.mulf %mul3A_55, %mul3A_56 : vector<10000x64xf32>
    %add3A_58 = vector.broadcast %get3A_38 : vector<1x64xf32> to vector<10000x64xf32>
    %add3A_59 = arith.addf %mul3A_57, %add3A_58 : vector<10000x64xf32>
    %max3A = arith.constant 0.000000e+00 : f32
    %max3A_60 = vector.broadcast %max3A : f32 to vector<10000x64xf32>
    %max3A_61 = arith.maximumf %add3A_59, %max3A_60 : vector<10000x64xf32>
    %get3A_62 = arith.constant 0 : index
    %get3A_63 = arith.constant 0 : index
    %get3A_64 = vector.load %arg9[%get3A_62, %get3A_63] : memref<1x1xf32, #tpu.memory_space<vmem>>, vector<1x1xf32>
    %get3A_65 = vector.extract %get3A_64[0, 0] : f32 from vector<1x1xf32>
    %sub3A_66 = arith.constant 1.000000e+00 : f32
    %sub3A_67 = arith.subf %sub3A_66, %get3A_65 : f32
    %mul3A_68 = vector.broadcast %sub3A_67 : f32 to vector<10000x64xf32>
    %mul3A_69 = arith.mulf %mul3A_68, %max3A_61 : vector<10000x64xf32>
    %get3A_70 = arith.constant 0 : index
    %get3A_71 = arith.constant 0 : index
    %get3A_72 = vector.load %arg8[%get3A_70, %get3A_71] : memref<10000x64xf32, #tpu.memory_space<vmem>>, vector<10000x64xf32>
    %mul3A_73 = vector.broadcast %get3A_65 : f32 to vector<10000x64xf32>
    %mul3A_74 = arith.mulf %mul3A_73, %get3A_72 : vector<10000x64xf32>
    %add3A_75 = arith.addf %mul3A_69, %mul3A_74 : vector<10000x64xf32>
    %max3A_76 = arith.constant 0.000000e+00 : f32
    %max3A_77 = vector.broadcast %max3A_76 : f32 to vector<10000x64xf32>
    %max3A_78 = arith.maximumf %add3A_75, %max3A_77 : vector<10000x64xf32>
    %swap3A = arith.constant 0 : index
    %swap3A_79 = arith.constant 0 : index
    %swap3A_80 = vector.load %arg10[%swap3A, %swap3A_79] : memref<10000x64xf32, #tpu.memory_space<vmem>>, vector<10000x64xf32>
    tpu.vector_store %arg10[%swap3A, %swap3A_79], %max3A_78 {strides = array<i32>} : memref<10000x64xf32, #tpu.memory_space<vmem>>, vector<10000x64xf32>,
    %mul3A_81 = vector.broadcast %get3A_1 : vector<10000x1xf32> to vector<10000x64xf32>
    %mul3A_82 = arith.mulf %max3A_78, %mul3A_81 : vector<10000x64xf32>
    %swap3A_83 = arith.constant 0 : index
    %swap3A_84 = arith.constant 0 : index
    %swap3A_85 = vector.load %arg11[%swap3A_83, %swap3A_84] : memref<10000x64xf32, #tpu.memory_space<vmem>>, vector<10000x64xf32>
    tpu.vector_store %arg11[%swap3A_83, %swap3A_84], %mul3A_82 {strides = array<i32>} : memref<10000x64xf32, #tpu.memory_space<vmem>>, vector<10000x64xf32>,
    return
  }
}

module attributes {stable_mosaic.version = 14 : i64} {
  func.func @_d3_body(%arg0: memref<10000x64xf32, #tpu.memory_space<vmem>>, %arg1: memref<2x10240x64xf32, #tpu.memory_space<vmem>>, %arg2: memref<10000x1xf32, #tpu.memory_space<vmem>>, %arg3: memref<64x32xf32, #tpu.memory_space<vmem>>, %arg4: memref<64x32xf32, #tpu.memory_space<vmem>>, %arg5: memref<1x32xf32, #tpu.memory_space<vmem>>, %arg6: memref<1x32xf32, #tpu.memory_space<vmem>>, %arg7: memref<1x32xf32, #tpu.memory_space<vmem>>, %arg8: memref<10000x32xf32, #tpu.memory_space<vmem>>, %arg9: memref<1x1xf32, #tpu.memory_space<vmem>>, %arg10: memref<10000x32xf32, #tpu.memory_space<vmem>>) attributes {dimension_semantics = [], scalar_prefetch = 0 : i64, scratch_operands = 0 : i64, tpu.core_type = #tpu.core_type<tc>} {
    %get3A = arith.constant 0 : index
    %get3A_0 = arith.constant 0 : index
    %get3A_1 = vector.load %arg2[%get3A, %get3A_0] : memref<10000x1xf32, #tpu.memory_space<vmem>>, vector<10000x1xf32>
    %get3A_2 = arith.constant 0 : index
    %get3A_3 = arith.constant 0 : index
    %get3A_4 = arith.constant 0 : index
    %get3A_5 = vector.load %arg1[%get3A_2, %get3A_3, %get3A_4] : memref<2x10240x64xf32, #tpu.memory_space<vmem>>, vector<1x10000x64xf32>
    %get3A_6 = vector.shape_cast %get3A_5 : vector<1x10000x64xf32> to vector<10000x64xf32>
    %get3A_7 = arith.constant 1 : index
    %get3A_8 = arith.constant 0 : index
    %get3A_9 = arith.constant 0 : index
    %get3A_10 = vector.load %arg1[%get3A_7, %get3A_8, %get3A_9] : memref<2x10240x64xf32, #tpu.memory_space<vmem>>, vector<1x10000x64xf32>
    %get3A_11 = vector.shape_cast %get3A_10 : vector<1x10000x64xf32> to vector<10000x64xf32>
    %add3A = arith.addf %get3A_6, %get3A_11 : vector<10000x64xf32>
    %neg3A = arith.constant 0.000000e+00 : f32
    %neg3A_12 = vector.broadcast %neg3A : f32 to vector<10000x1xf32>
    %neg3A_13 = arith.subf %neg3A_12, %get3A_1 : vector<10000x1xf32>
    %mul3A = vector.broadcast %neg3A_13 : vector<10000x1xf32> to vector<10000x64xf32>
    %mul3A_14 = arith.mulf %add3A, %mul3A : vector<10000x64xf32>
    %get3A_15 = arith.constant 0 : index
    %get3A_16 = arith.constant 0 : index
    %get3A_17 = vector.load %arg0[%get3A_15, %get3A_16] : memref<10000x64xf32, #tpu.memory_space<vmem>>, vector<10000x64xf32>
    %get3A_18 = arith.constant 0 : index
    %get3A_19 = arith.constant 0 : index
    %get3A_20 = vector.load %arg3[%get3A_18, %get3A_19] : memref<64x32xf32, #tpu.memory_space<vmem>>, vector<64x32xf32>
    %dot_general3A = arith.constant dense<0.000000e+00> : vector<10000x32xf32>
    %dot_general3A_21 = tpu.matmul %get3A_17, %get3A_20, %dot_general3A {dimension_numbers = #tpu.dot_dimension_numbers<[1], [0], [0], [1], [0, 0, 1, 1], [], []>, transpose_lhs_hint = false} : vector<10000x64xf32>, vector<64x32xf32>, vector<10000x32xf32> -> vector<10000x32xf32>
    %get3A_22 = arith.constant 0 : index
    %get3A_23 = arith.constant 0 : index
    %get3A_24 = vector.load %arg4[%get3A_22, %get3A_23] : memref<64x32xf32, #tpu.memory_space<vmem>>, vector<64x32xf32>
    %dot_general3A_25 = arith.constant dense<0.000000e+00> : vector<10000x32xf32>
    %dot_general3A_26 = tpu.matmul %mul3A_14, %get3A_24, %dot_general3A_25 {dimension_numbers = #tpu.dot_dimension_numbers<[1], [0], [0], [1], [0, 0, 1, 1], [], []>, transpose_lhs_hint = false} : vector<10000x64xf32>, vector<64x32xf32>, vector<10000x32xf32> -> vector<10000x32xf32>
    %add3A_27 = arith.addf %dot_general3A_21, %dot_general3A_26 : vector<10000x32xf32>
    %get3A_28 = arith.constant 0 : index
    %get3A_29 = arith.constant 0 : index
    %get3A_30 = vector.load %arg5[%get3A_28, %get3A_29] : memref<1x32xf32, #tpu.memory_space<vmem>>, vector<1x32xf32>
    %add3A_31 = vector.broadcast %get3A_30 : vector<1x32xf32> to vector<10000x32xf32>
    %add3A_32 = arith.addf %add3A_27, %add3A_31 : vector<10000x32xf32>
    %get3A_33 = arith.constant 0 : index
    %get3A_34 = arith.constant 0 : index
    %get3A_35 = vector.load %arg6[%get3A_33, %get3A_34] : memref<1x32xf32, #tpu.memory_space<vmem>>, vector<1x32xf32>
    %get3A_36 = arith.constant 0 : index
    %get3A_37 = arith.constant 0 : index
    %get3A_38 = vector.load %arg7[%get3A_36, %get3A_37] : memref<1x32xf32, #tpu.memory_space<vmem>>, vector<1x32xf32>
    %reduce_sum3A = arith.constant dense<0.000000e+00> : vector<32xf32>
    %reduce_sum3A_39 = vector.multi_reduction <add>, %add3A_32, %reduce_sum3A [0] : vector<10000x32xf32> to vector<32xf32>
    %broadcast_in_dim3A = vector.shape_cast %reduce_sum3A_39 : vector<32xf32> to vector<1x32xf32>
    %div3A = arith.constant 1.000000e+04 : f32
    %div3A_40 = vector.broadcast %div3A : f32 to vector<1x32xf32>
    %div3A_41 = arith.divf %broadcast_in_dim3A, %div3A_40 : vector<1x32xf32>
    %sub3A = vector.broadcast %div3A_41 : vector<1x32xf32> to vector<10000x32xf32>
    %sub3A_42 = arith.subf %add3A_32, %sub3A : vector<10000x32xf32>
    %integer_pow3A = arith.mulf %sub3A_42, %sub3A_42 : vector<10000x32xf32>
    %reduce_sum3A_43 = arith.constant dense<0.000000e+00> : vector<32xf32>
    %reduce_sum3A_44 = vector.multi_reduction <add>, %integer_pow3A, %reduce_sum3A_43 [0] : vector<10000x32xf32> to vector<32xf32>
    %broadcast_in_dim3A_45 = vector.shape_cast %reduce_sum3A_44 : vector<32xf32> to vector<1x32xf32>
    %div3A_46 = arith.constant 1.000000e+04 : f32
    %div3A_47 = vector.broadcast %div3A_46 : f32 to vector<1x32xf32>
    %div3A_48 = arith.divf %broadcast_in_dim3A_45, %div3A_47 : vector<1x32xf32>
    %sub3A_49 = vector.broadcast %div3A_41 : vector<1x32xf32> to vector<10000x32xf32>
    %sub3A_50 = arith.subf %add3A_32, %sub3A_49 : vector<10000x32xf32>
    %add3A_51 = arith.constant 9.99999974E-6 : f32
    %add3A_52 = vector.broadcast %add3A_51 : f32 to vector<1x32xf32>
    %add3A_53 = arith.addf %div3A_48, %add3A_52 : vector<1x32xf32>
    %rsqrt3A = math.rsqrt %add3A_53 : vector<1x32xf32>
    %mul3A_54 = vector.broadcast %rsqrt3A : vector<1x32xf32> to vector<10000x32xf32>
    %mul3A_55 = arith.mulf %sub3A_50, %mul3A_54 : vector<10000x32xf32>
    %mul3A_56 = vector.broadcast %get3A_35 : vector<1x32xf32> to vector<10000x32xf32>
    %mul3A_57 = arith.mulf %mul3A_55, %mul3A_56 : vector<10000x32xf32>
    %add3A_58 = vector.broadcast %get3A_38 : vector<1x32xf32> to vector<10000x32xf32>
    %add3A_59 = arith.addf %mul3A_57, %add3A_58 : vector<10000x32xf32>
    %get3A_60 = arith.constant 0 : index
    %get3A_61 = arith.constant 0 : index
    %get3A_62 = vector.load %arg9[%get3A_60, %get3A_61] : memref<1x1xf32, #tpu.memory_space<vmem>>, vector<1x1xf32>
    %get3A_63 = vector.extract %get3A_62[0, 0] : f32 from vector<1x1xf32>
    %sub3A_64 = arith.constant 1.000000e+00 : f32
    %sub3A_65 = arith.subf %sub3A_64, %get3A_63 : f32
    %mul3A_66 = vector.broadcast %sub3A_65 : f32 to vector<10000x32xf32>
    %mul3A_67 = arith.mulf %mul3A_66, %add3A_59 : vector<10000x32xf32>
    %get3A_68 = arith.constant 0 : index
    %get3A_69 = arith.constant 0 : index
    %get3A_70 = vector.load %arg8[%get3A_68, %get3A_69] : memref<10000x32xf32, #tpu.memory_space<vmem>>, vector<10000x32xf32>
    %mul3A_71 = vector.broadcast %get3A_63 : f32 to vector<10000x32xf32>
    %mul3A_72 = arith.mulf %mul3A_71, %get3A_70 : vector<10000x32xf32>
    %add3A_73 = arith.addf %mul3A_67, %mul3A_72 : vector<10000x32xf32>
    %max3A = arith.constant 0.000000e+00 : f32
    %max3A_74 = vector.broadcast %max3A : f32 to vector<10000x32xf32>
    %max3A_75 = arith.maximumf %add3A_73, %max3A_74 : vector<10000x32xf32>
    %swap3A = arith.constant 0 : index
    %swap3A_76 = arith.constant 0 : index
    %swap3A_77 = vector.load %arg10[%swap3A, %swap3A_76] : memref<10000x32xf32, #tpu.memory_space<vmem>>, vector<10000x32xf32>
    tpu.vector_store %arg10[%swap3A, %swap3A_76], %max3A_75 {strides = array<i32>} : memref<10000x32xf32, #tpu.memory_space<vmem>>, vector<10000x32xf32>,
    return
  }
}

</mosaic_0001>

<sc_bundles>
// kernel: kernel.11.cloned.1.call-start
scs
__scs_entry_jumppad:
0x0: {  	(pc) =	sbr.rel $0x88, $3  }
0x1: {  	(tag) =	ssettag $0x0;
	lr =	simm.s32 $0x1  }
0x2: {  	[smem:$0x3F82] =	sst lr;
	_ =	strace $0xD0000000  }
0x3: {  	_ = 	snop  }
0x4: {  	_ = 	snop  }
0x5: {  	_ = 	snop  }
0x6: {  	_ = 	snop  }
0x7: {  	_ = 	snop  }
__scs_overlays_trampoline_lowered:
0x8: {  	[smem:$0x3F91] =	sst s0  }
0x9: {  	[smem:$0x3F92] =	sst s1  }
0xa: {  	[smem:$0x3F93] =	sst s2  }
0xb: {  	[smem:$0x3F94] =	sst s3  }
0xc: {  	[smem:$0x3F95] =	sst s4  }
0xd: {  	[smem:$0x3F96] =	sst s5  }
0xe: {  	[smem:$0x3F97] =	sst s6  }
0xf: {  	[smem:$0x3F98] =	sst s7  }
0x10: {  	[smem:$0x3F99] =	sst s8  }
0x11: {  	[smem:$0x3F9A] =	sst s9;
	s0 =	simm.s32 @!p0 $0x0  }
0x12: {  	s1 =	sld [smem:$0x3F80];
	s0 =	simm.s32 @p0 $0x1  }
0x13: {  	[smem:$0x3F9B] =	sst s0;
	s0 =	simm.s32 @!p1 $0x0  }
0x14: {  	s2 =	sld [smem:$0x3F7F];
	s0 =	simm.s32 @p1 $0x1  }
0x15: {  	[smem:$0x3F9C] =	sst s0;
	s0 =	simm.s32 @!p2 $0x0  }
0x16: {  	s3 =	sld [smem:$0x3FDB];
	s0 =	simm.s32 @p2 $0x1  }
0x17: {  	s4 =	simm.s32 $0x1BF5;
	[smem:$0x3F9E] =	sst s0  }
0x18: {  	s0 =	sld [smem:$0x3F81];
	_ =	swait.ge [sflag:s4], $0x0  }
0x19: {  	s7 =	sld [smem:$0x3F82]  }
0x1a: {  	s8 =	sadd.s32 $0xFFFFE003, lr  }
0x1b: {  	s9 =	sadd.s32 $0xFFFFFEF7, lr;
	s5 =	simm.s32 $0xFFFFFFFF;
	p2 =	slt.u32 s8, $0xFFFFF086  }
0x1c: {  	p1 =	slt.u32 s9, $0xF7A;
	s5 =	simm.s32 @!p2 $0x0  }
0x1d: {  	s5 =	simm.s32 @p1 $0x1;
	p0 =	seq.s32 s7, s2  }
0x1e: {  	s7 =	smul.u32 @!p0 $0xF7A, s2;
	p2 =	seq.s32 @!p0 s5, $0x0  }
0x1f: {  	s9 =	smul.u32 $0xF7A, s1;
	s8 =	simm.s32 @!p0 $0x1BF5;
	p2 =	por !p2, p0  }
0x20: {  	[sflag:s8] =	ssyncset.s32 @!p0 $0xFFFFF086;
	s6 =	sadd.s32 @!p0 s3, s7;
	s7 =	simm.s32 @!p0 $0x108  }
0x21: {  	s3 =	sadd.s32 s3, s9;
	s6 =	sadd.s32 @!p0 $0x88, s6;
	s7 =	simm.s32 @p2 $0x1082  }
0x22: {  	[simem:s7], [sflag:s8] =	dma.local @!p0 [hbm:s6], $0xF7A  }
0x23: {  	s9 =	sor.u32 $0xD0000000, s2;
	s6 =	simm.s32 $0x108;
	_ =	swait.ge @!p0 [sflag:s8], $0x0  }
0x24: {  	s3 =	sadd.s32 $0x88, s3;
	s6 =	simm.s32 @!p1 $0x1082;
	[sflag:s4] =	ssyncset.s32 $0xFFFFF086  }
0x25: {  	[simem:s6], [sflag:s4] =	dma.local [hbm:s3], $0xF7A  }
0x26: {  	[smem:$0x3F82] =	sst s1;
	(tag) =	ssettag s2;
	_ =	strace s9  }
0x27: {  	s1 =	sld [smem:$0x3F92]  }
0x28: {  	s2 =	sld [smem:$0x3F93]  }
0x29: {  	s4 =	sld [smem:$0x3F95]  }
0x2a: {  	p0 =	seq.s32 s5, $0x0;
	s5 =	sld [smem:$0x3F96]  }
0x2b: {  	s6 =	sld [smem:$0x3F97]  }
0x2c: {  	s7 =	sld [smem:$0x3F98]  }
0x2d: {  	s3 =	simm.s32 $0x108;
	s8 =	sld [smem:$0x3F99]  }
0x2e: {  	s3 =	simm.s32 @!p0 $0x1082;
	s9 =	sld [smem:$0x3F9A]  }
0x2f: {  	lr =	sadd.s32 s0, s3;
	s0 =	sld [smem:$0x3F91]  }
0x30: {  	s3 =	sld [smem:$0x3F94]  }
0x31: {  	[smem:$0x3F9D] =	sst s10  }
0x32: {  	s10 =	sld [smem:$0x3F9B];
	_ =	sdelay $0x3  }
0x33: {  	p0 =	seq.s32 s10, $0x1;
	s10 =	sld [smem:$0x3F9D];
	_ =	sdelay $0x3  }
0x34: {  	[smem:$0x3F9D] =	sst s10  }
0x35: {  	s10 =	sld [smem:$0x3F9C];
	_ =	sdelay $0x3  }
0x36: {  	p1 =	seq.s32 s10, $0x1;
	s10 =	sld [smem:$0x3F9D];
	_ =	sdelay $0x3  }
0x37: {  	[smem:$0x3F9D] =	sst s10  }
0x38: {  	s10 =	sld [smem:$0x3F9E]  }
0x39: {  	_ = 	snop;
	(pc) =	sbr.ind lr, $3  }
0x3a: {  	_ = 	snop  }
0x3b: {  	_ = 	snop  }
0x3c: {  	p2 =	seq.s32 s10, $0x1;
	s10 =	sld [smem:$0x3F9D]  }
0x3d: {  	_ =	shalt  }
0x3e: {  	_ =	shalt  }
0x3f: {  	_ =	shalt  }
0x40: {  	_ =	shalt  }
0x41: {  	_ =	shalt  }
0x42: {  	_ =	shalt  }
0x43: {  	_ =	shalt  }
0x44: {  	_ =	shalt  }
0x45: {  	_ =	shalt  }
0x46: {  	_ =	shalt  }
0x47: {  	_ =	shalt  }
0x48: {  	_ =	shalt  }
0x49: {  	_ =	shalt  }
0x4a: {  	_ =	shalt  }
0x4b: {  	_ =	shalt  }
0x4c: {  	_ =	shalt  }
0x4d: {  	_ =	shalt  }
0x4e: {  	_ =	shalt  }
0x4f: {  	_ =	shalt  }
0x50: {  	_ =	shalt  }
0x51: {  	_ =	shalt  }
0x52: {  	_ =	shalt  }
0x53: {  	_ =	shalt  }
0x54: {  	_ =	shalt  }
0x55: {  	_ =	shalt  }
0x56: {  	_ =	shalt  }
0x57: {  	_ =	shalt  }
0x58: {  	_ =	shalt  }
0x59: {  	_ =	shalt  }
0x5a: {  	_ =	shalt  }
0x5b: {  	_ =	shalt  }
0x5c: {  	_ =	shalt  }
0x5d: {  	_ =	shalt  }
0x5e: {  	_ =	shalt  }
0x5f: {  	_ =	shalt  }
0x60: {  	_ =	shalt  }
0x61: {  	_ =	shalt  }
0x62: {  	_ =	shalt  }
0x63: {  	_ =	shalt  }
0x64: {  	_ =	shalt  }
0x65: {  	_ =	shalt  }
0x66: {  	_ =	shalt  }
0x67: {  	_ =	shalt  }
0x68: {  	_ =	shalt  }
0x69: {  	_ =	shalt  }
0x6a: {  	_ =	shalt  }
0x6b: {  	_ =	shalt  }
0x6c: {  	_ =	shalt  }
0x6d: {  	_ =	shalt  }
0x6e: {  	_ =	shalt  }
0x6f: {  	_ =	shalt  }
0x70: {  	_ =	shalt  }
0x71: {  	_ =	shalt  }
0x72: {  	_ =	shalt  }
0x73: {  	_ =	shalt  }
0x74: {  	_ =	shalt  }
0x75: {  	_ =	shalt  }
0x76: {  	_ =	shalt  }
0x77: {  	_ =	shalt  }
0x78: {  	_ =	shalt  }
0x79: {  	_ =	shalt  }
0x7a: {  	_ =	shalt  }
0x7b: {  	_ =	shalt  }
0x7c: {  	_ =	shalt  }
0x7d: {  	_ =	shalt  }
0x7e: {  	_ =	shalt  }
0x7f: {  	_ =	shalt  }
0x80: {  	_ =	shalt  }
0x81: {  	_ =	shalt  }
0x82: {  	_ =	shalt  }
0x83: {  	_ =	shalt  }
0x84: {  	_ =	shalt  }
0x85: {  	_ =	shalt  }
0x86: {  	_ =	shalt  }
0x87: {  	_ =	shalt  }
.Lfunc_end0:
.L_simem_size_0:
called_computation_lowered:
.L_overlay_start_0:
0x88: {  	s2 =	sld [smem:$0x3FD9]  }
0x89: {  	s3 =	sld [smem:$0x3FFE];
	_ =	sdelay $0x1  }
0x8a: {  	s1 =	srdreg.scid  }
0x8b: {  	s0 =	sand.u32 $0x1, s1  }
0x8c: {  	s16 =	sshll.u32 s0, $0xA;
	s2 =	sadd.s32 s3, s2  }
0x8d: {  	s2 =	sadd.s32 s2, s16  }
0x8e: {  	[smem:$0x3FA9] =	sst s2  }
0x8f: {  	_ = 	snop  }
0x90: {  	(tm) =	ssettm $0x1  }
0x91: {  	s17 =	sld [smem:$0x3FFB];
	_ =	sdelay $0x3  }
0x92: {  	_ =	strace s17  }
0x93: {  	s2 =	sld [smem:$0x3FFC];
	_ =	sdelay $0x3  }
0x94: {  	_ =	strace s2  }
0x95: {  	s2 =	sld [smem:$0x3FFD];
	_ =	sdelay $0x3  }
0x96: {  	_ =	strace s2  }
0x97: {  	_ =	strace $0x8FFFFFFF  }
0x98: {  	s18 =	sld [smem:$0x3FDB];
	_ =	sdelay $0x1  }
0x99: {  	s19 =	simm.s32 $_scs_section_size  }
0x9a: {  	s4 =	simm.s32 $_size__tile_overlayer_lowered;
	s5 =	simm.s32 $_tile_overlayer_lowered  }
0x9b: {  	s22 =	simm.s32 $0x1BFF;
	s21 =	sshll.u32 s5, $0x1;
	s2 =	sadd.s32 s19, s18  }
0x9c: {  	s6 =	simm.s32 $0x0;
	s20 =	sshll.u32 s4, $0x1;
	s4 =	sadd.s32 s21, s2  }
0x9d: {  	[timem:s6], [sflag:s22] =	dma.local [hbm:s4], s20  }
0x9e: {  	_ =	swait.ge [sflag:s22], s20  }
0x9f: {  	s3 =	ssub.s32 $0x0, s20;
	[sflag:s22] =	ssyncset.done $0x0  }
0xa0: {  	[sflag:s22] =	ssyncadd.s32 s3;
	_ =	sdelay $0x1  }
0xa1: {  	s23 =	simm.s32 $0x1B8B  }
0xa2: {  	_ =	swait.ge [sflag:s23], $0x1  }
0xa3: {  	[sflag:s23] =	ssyncset.done $0x0  }
0xa4: {  	s25 =	simm.s32 $0x1B8E;
	s24 =	sld [smem:$0x3FFE];
	[sflag:s23] =	ssyncadd.s32 $0xFFFFFFFF  }
0xa5: {  	s26 =	simm.s32 $execute0_lowered;
	[smem:$0x3FD2] =	sst s25  }
0xa6: {  	s4 =	sshll.u32 s26, $0x1;
	_ =	strace $0x80000046;
	[dreg:$0x1] =	wrdreg $0xFFFFFFFF  }
0xa7: {  	s28 =	simm.s32 $_size_execute0_lowered;
	s2 =	sadd.s32 s2, s4;
	[dreg:$0x0] =	wrdreg $0x0  }
0xa8: {  	s4 =	sshll.u32 s28, $0x1;
	[dreg:$0x2] =	wrdreg s2  }
0xa9: {  	[dreg:$0x3] =	wrdreg s4  }
0xaa: {  	[dreg:$0x4] =	wrdreg $0xC0  }
0xab: {  	_ =	task [dreg:s6], $0x5FFFF  }
0xac: {  	[dreg:$0x1] =	wrdreg $0xFFFFFFFF  }
0xad: {  	[dreg:$0x0] =	wrdreg $0x60  }
0xae: {  	[dreg:$0x2] =	wrdreg s24  }
0xaf: {  	[dreg:$0x3] =	wrdreg $0x2C100  }
0xb0: {  	[dreg:$0x4] =	wrdreg $0x9  }
0xb1: {  	_ =	task.clear_ibuf [dreg:s6], $0x5FFFF;
	_ =	strace $0x90000046  }
0xb2: {  	s29 =	simm.s32 $0x9;
	_ =	strace $0x80000048  }
0xb3: {  	_ =	swait.ge [sflag:s29], $0x1  }
0xb4: {  	[sflag:s29] =	ssyncadd.s32 $0xFFFFFFFF  }
0xb5: {  	_ =	strace $0x90000048  }
0xb6: {  	_ =	sfence  }
0xb7: {  	s30 =	sld [smem:$0x0];
	_ =	sdelay $0x2  }
0xb8: {  	s31 =	sshll.u32 s1, $0xD;
	s1 =	sshrl.u32 s1, $0x2  }
0xb9: {  	s3 =	sand.u32 $0x4000, s31;
	s1 =	sadd.s32 s1, s30  }
0xba: {  	s0 =	sor.u32 s3, s0;
	s1 =	sshll.u32 s1, $0x11  }
0xbb: {  	s0 =	sor.u32 s1, s0  }
0xbc: {  	s0 =	sadd.s32 $0x8F2B, s0  }
0xbd: {  	[sflag:s0] =	ssyncadd.remote.s32 $0x1  }
0xbe: {  	_ =	sfence.sel $0xFFFF  }
0xbf: {  	[dreg:$0x0] =	wrdreg $0xFFFFFFFF;
	(pc) =	sbr.abs _section_cstart, $3  }
0xc0: {  	[dreg:$0x1] =	wrdreg $0xFFFFFFFF  }
0xc1: {  	_ =	task.clear_ibuf [dreg:s6], $0x2FFFF;
	_ =	strace $0x9FFFFFFF  }
0xc2: {  	(tm) =	ssettm $0x7FFFFFFF  }
0xc3: {  	_ =	shalt  }
tec
execute0_lowered:
.L_overlay_start_1:
0x0: {  	(tag) =	ssettag $0x1  }
0x1: {  	s1 =	srdreg.scid;
	s6 =	rddreg [dreg:$0x0]  }
0x2: {  	s0 =	stileid.u32;
	s2 =	rddreg [dreg:$0x1]  }
0x3: {  	s3 =	simm.s32 $0x0;
	s13 =	simm.s32 $0x50;
	s14 =	simm.s32 $0x1  }
0x4: {  	s15 =	simm.s32 $0x0;
	s5 =	sand.u32 $0x1, s1;
	s30 =	sshll.u32 s0, $0x1  }
0x5: {  	s7 =	smul.u32 $0x2800, s0;
	[smem:$0x7FF] =	sst s3;
	s31 =	sshll.u32 s0, $0x6  }
0x6: {  	s1 =	sor.u32 s5, s30;
	s8 =	smul.u32 $0x28000, s5;
	s5 =	ssub.s32 $0x2, s5  }
0x7: {  	s4 =	smul.u32 $0x4E2, s1;
	s1 =	rddreg [dreg:$0x2];
	_ =	strace $0x80000047  }
0x8: {  	s10 =	sshrl.u32 s7, $0x3;
	s11 =	sshrl.u32 s5, $0x1;
	s12 =	sadd.s32 s7, s2  }
0x9: {  	s8 =	sadd.s32 s7, s8;
	s10 =	sadd.s32 s10, s6;
	s11 =	ssub.s32 s5, s11  }
0xa: {  	s12 =	sshrl.u32 s12, $0x3;
	s9 =	sadd.s32 s4, s6;
	s8 =	sshrl.u32 s8, $0x3  }
0xb: {  	s4 =	sadd.s32 $0x14800, s6;
	s8 =	sadd.s32 s8, s6;
	s5 =	sadd.s32 $0x5A00, s9  }
0xc: {  	s6 =	sadd.s32 $0xF800, s10;
	s9 =	simm.s32 $0x2;
	s10 =	simm.s32 $0x2710  }
0xd: {  	s7 =	sadd.s32 $0x14A00, s8;
	s8 =	smax.u32 s11, $0x1;
	s11 =	sor.u32 $0x1C02, s31  }
.LBB2_1:
0xe: {  	[tilespmem:s3], [sflag:$0x2] =	stream.linear.gather [hbm4b:s5+s3], $0x2710, $0x38;
	[tilespmem:$0x5410] =	vst v63  }
0xf: {  	_ =	swait.ge [sflag:s9], $0x2710  }
0x10: {  	[sflag:s9] =	ssyncset.done $0x0  }
0x11: {  	[sflag:s9] =	ssyncadd.s32 $0xFFFFD8F0  }
0x12: {  	[tilespmem:s10], [sflag:$0x2] =	stream.linear.gather [hbm4b:s4+s3], $0x500, $0x38;
	[tilespmem:$0x5410] =	vst v63  }
0x13: {  	_ =	swait.ge [sflag:s9], $0x500  }
0x14: {  	[sflag:s9] =	ssyncset.done $0x0  }
0x15: {  	[sflag:s9] =	ssyncadd.s32 $0xFFFFFB00  }
0x16: {  	[spmem:s12], [sflag:s11] =	dma.local [hbm:s6], $0x500  }
0x17: {  	_ =	swait.ge [sflag:s9], $0x500  }
0x18: {  	[sflag:s9] =	ssyncset.done $0x0  }
0x19: {  	[sflag:s9] =	ssyncadd.s32 $0xFFFFFB00  }
0x1a: {  	s16 =	simm.s32 $0x0;
	[bflag:$0x0] =	sbarrier.arrive $0xFFFF  }
.LBB2_2:
0x1b: {  	p0 =	sne.s32 s16, $0x9B00  }
.Ltmp0:
0x1c: {  	_ = 	snop;
	(pc) =	sbr.rel @p0 .LBB2_2-.Ltmp0, $3  }
0x1d: {  	_ =	sdelay $0x1  }
0x1e: {  	s17 =	sshra.s32 s16, $0x2;
	s16 =	sadd.s32 $0x140, s16  }
0x1f: {  	[spmem:s2] =	stream.indirect.scatter.add.f32 [tilespmem:s10], [sflag:$0x1], $0x10, s17, s13, $0xb8;
	[tilespmem:$0x5410] =	vst v63  }
0x20: {  	_ =	swait.ge [sflag:s14], $0x500  }
0x21: {  	s16 =	simm.s32 $0x7C;
	[sflag:s14] =	ssyncset.done $0x0  }
.LBB2_4:
0x22: {  	p0 =	sne.s32 s16, $0x1;
	s16 =	sadd.s32 $0xFFFFFFFF, s16;
	[sflag:s14] =	ssyncadd.s32 $0xFFFFFB00  }
.Ltmp1:
0x23: {  	(pc) =	sbr.rel @p0 .LBB2_4-.Ltmp1, $3  }
0x24: {  	_ =	sdelay $0x1  }
0x25: {  	_ =	swait.ge [sflag:s14], $0x500  }
0x26: {  	[sflag:s14] =	ssyncset.done $0x0  }
0x27: {  	s15 =	sadd.s32 $0x1, s15  }
0x28: {  	[sflag:s14] =	ssyncadd.s32 $0xFFFFFB00;
	p0 =	sne.s32 s15, s8  }
.Ltmp2:
0x29: {  	[bflag:$0x0] =	sbarrier.arrive $0xFFFF;
	(pc) =	sbr.rel @p0 .LBB2_1-.Ltmp2, $4  }
0x2a: {  	[hbm:s7], [sflag:s11] =	dma.local [spmem:s12], $0x500  }
0x2b: {  	_ =	swait.ge [sflag:s9], $0x500  }
0x2c: {  	[sflag:s9] =	ssyncset.done $0x0  }
0x2d: {  	[sflag:s9] =	ssyncadd.s32 $0xFFFFFB00  }
0x2e: {  	_ =	sfence.sel $0x180000  }
0x2f: {  	[bflag:$0x0] =	sbarrier.arrive $0xFFFF  }
0x30: {  	p0 =	sne.s32 s0, $0x0;
	_ =	strace $0x90000047  }
0x31: {  	s0 =	sadd.s32 @!p0 $0x100000, s1;
	[bflag:$0x2] =	sbarrier.arrive $0xFFFF  }
0x32: {  	[sflag:s0] =	ssyncadd.tile.s32 @!p0 $0x1;
	_ =	shalt  }
.Lfunc_end2:
_tile_overlayer_lowered:
.L_overlay_start_2:
0x33: {  	(tag) =	ssettag $0x2  }
0x34: {  	s0 =	rddreg [dreg:$0x0];
	s2 =	stileid.u32  }
0x35: {  	s1 =	rddreg [dreg:$0x1];
	p0 =	sne.s32 s2, $0x0  }
0x36: {  	s3 =	rddreg [dreg:$0x2];
	[bflag:$0x3] =	sbarrier.arrive $0xFFFF;
	s2 =	simm.s32 @!p0 $0x1C02  }
0x37: {  	[timem:s3], [sflag:s2] =	dma.local @!p0 [hbm:s0], s1  }
0x38: {  	s0 =	simm.s32 @!p0 $0x2  }
0x39: {  	_ =	swait.ge @!p0 [sflag:s0], s1  }
0x3a: {  	s1 =	ssub.s32 @!p0 $0x0, s1;
	[sflag:s0] =	ssyncset.done @!p0 $0x0  }
0x3b: {  	[sflag:s0] =	ssyncadd.s32 @!p0 s1  }
0x3c: {  	[bflag:$0x3] =	sbarrier.arrive $0xFFFF  }
0x3d: {  	_ =	shalt  }

// kernel: kernel.14.cloned.1.call-start
scs
__scs_entry_jumppad:
0x0: {  	(pc) =	sbr.rel $0x88, $3  }
0x1: {  	(tag) =	ssettag $0x0;
	lr =	simm.s32 $0x1  }
0x2: {  	[smem:$0x3F82] =	sst lr;
	_ =	strace $0xD0000000  }
0x3: {  	_ = 	snop  }
0x4: {  	_ = 	snop  }
0x5: {  	_ = 	snop  }
0x6: {  	_ = 	snop  }
0x7: {  	_ = 	snop  }
__scs_overlays_trampoline_lowered:
0x8: {  	[smem:$0x3F91] =	sst s0  }
0x9: {  	[smem:$0x3F92] =	sst s1  }
0xa: {  	[smem:$0x3F93] =	sst s2  }
0xb: {  	[smem:$0x3F94] =	sst s3  }
0xc: {  	[smem:$0x3F95] =	sst s4  }
0xd: {  	[smem:$0x3F96] =	sst s5  }
0xe: {  	[smem:$0x3F97] =	sst s6  }
0xf: {  	[smem:$0x3F98] =	sst s7  }
0x10: {  	[smem:$0x3F99] =	sst s8  }
0x11: {  	[smem:$0x3F9A] =	sst s9;
	s0 =	simm.s32 @!p0 $0x0  }
0x12: {  	s1 =	sld [smem:$0x3F80];
	s0 =	simm.s32 @p0 $0x1  }
0x13: {  	[smem:$0x3F9B] =	sst s0;
	s0 =	simm.s32 @!p1 $0x0  }
0x14: {  	s2 =	sld [smem:$0x3F7F];
	s0 =	simm.s32 @p1 $0x1  }
0x15: {  	[smem:$0x3F9C] =	sst s0;
	s0 =	simm.s32 @!p2 $0x0  }
0x16: {  	s3 =	sld [smem:$0x3FDB];
	s0 =	simm.s32 @p2 $0x1  }
0x17: {  	s4 =	simm.s32 $0x1BF5;
	[smem:$0x3F9E] =	sst s0  }
0x18: {  	s0 =	sld [smem:$0x3F81];
	_ =	swait.ge [sflag:s4], $0x0  }
0x19: {  	s7 =	sld [smem:$0x3F82]  }
0x1a: {  	s8 =	sadd.s32 $0xFFFFE003, lr  }
0x1b: {  	s9 =	sadd.s32 $0xFFFFFEF7, lr;
	s5 =	simm.s32 $0xFFFFFFFF;
	p2 =	slt.u32 s8, $0xFFFFF086  }
0x1c: {  	p1 =	slt.u32 s9, $0xF7A;
	s5 =	simm.s32 @!p2 $0x0  }
0x1d: {  	s5 =	simm.s32 @p1 $0x1;
	p0 =	seq.s32 s7, s2  }
0x1e: {  	s7 =	smul.u32 @!p0 $0xF7A, s2;
	p2 =	seq.s32 @!p0 s5, $0x0  }
0x1f: {  	s9 =	smul.u32 $0xF7A, s1;
	s8 =	simm.s32 @!p0 $0x1BF5;
	p2 =	por !p2, p0  }
0x20: {  	[sflag:s8] =	ssyncset.s32 @!p0 $0xFFFFF086;
	s6 =	sadd.s32 @!p0 s3, s7;
	s7 =	simm.s32 @!p0 $0x108  }
0x21: {  	s3 =	sadd.s32 s3, s9;
	s6 =	sadd.s32 @!p0 $0x88, s6;
	s7 =	simm.s32 @p2 $0x1082  }
0x22: {  	[simem:s7], [sflag:s8] =	dma.local @!p0 [hbm:s6], $0xF7A  }
0x23: {  	s9 =	sor.u32 $0xD0000000, s2;
	s6 =	simm.s32 $0x108;
	_ =	swait.ge @!p0 [sflag:s8], $0x0  }
0x24: {  	s3 =	sadd.s32 $0x88, s3;
	s6 =	simm.s32 @!p1 $0x1082;
	[sflag:s4] =	ssyncset.s32 $0xFFFFF086  }
0x25: {  	[simem:s6], [sflag:s4] =	dma.local [hbm:s3], $0xF7A  }
0x26: {  	[smem:$0x3F82] =	sst s1;
	(tag) =	ssettag s2;
	_ =	strace s9  }
0x27: {  	s1 =	sld [smem:$0x3F92]  }
0x28: {  	s2 =	sld [smem:$0x3F93]  }
0x29: {  	s4 =	sld [smem:$0x3F95]  }
0x2a: {  	p0 =	seq.s32 s5, $0x0;
	s5 =	sld [smem:$0x3F96]  }
0x2b: {  	s6 =	sld [smem:$0x3F97]  }
0x2c: {  	s7 =	sld [smem:$0x3F98]  }
0x2d: {  	s3 =	simm.s32 $0x108;
	s8 =	sld [smem:$0x3F99]  }
0x2e: {  	s3 =	simm.s32 @!p0 $0x1082;
	s9 =	sld [smem:$0x3F9A]  }
0x2f: {  	lr =	sadd.s32 s0, s3;
	s0 =	sld [smem:$0x3F91]  }
0x30: {  	s3 =	sld [smem:$0x3F94]  }
0x31: {  	[smem:$0x3F9D] =	sst s10  }
0x32: {  	s10 =	sld [smem:$0x3F9B];
	_ =	sdelay $0x3  }
0x33: {  	p0 =	seq.s32 s10, $0x1;
	s10 =	sld [smem:$0x3F9D];
	_ =	sdelay $0x3  }
0x34: {  	[smem:$0x3F9D] =	sst s10  }
0x35: {  	s10 =	sld [smem:$0x3F9C];
	_ =	sdelay $0x3  }
0x36: {  	p1 =	seq.s32 s10, $0x1;
	s10 =	sld [smem:$0x3F9D];
	_ =	sdelay $0x3  }
0x37: {  	[smem:$0x3F9D] =	sst s10  }
0x38: {  	s10 =	sld [smem:$0x3F9E]  }
0x39: {  	_ = 	snop;
	(pc) =	sbr.ind lr, $3  }
0x3a: {  	_ = 	snop  }
0x3b: {  	_ = 	snop  }
0x3c: {  	p2 =	seq.s32 s10, $0x1;
	s10 =	sld [smem:$0x3F9D]  }
0x3d: {  	_ =	shalt  }
0x3e: {  	_ =	shalt  }
0x3f: {  	_ =	shalt  }
0x40: {  	_ =	shalt  }
0x41: {  	_ =	shalt  }
0x42: {  	_ =	shalt  }
0x43: {  	_ =	shalt  }
0x44: {  	_ =	shalt  }
0x45: {  	_ =	shalt  }
0x46: {  	_ =	shalt  }
0x47: {  	_ =	shalt  }
0x48: {  	_ =	shalt  }
0x49: {  	_ =	shalt  }
0x4a: {  	_ =	shalt  }
0x4b: {  	_ =	shalt  }
0x4c: {  	_ =	shalt  }
0x4d: {  	_ =	shalt  }
0x4e: {  	_ =	shalt  }
0x4f: {  	_ =	shalt  }
0x50: {  	_ =	shalt  }
0x51: {  	_ =	shalt  }
0x52: {  	_ =	shalt  }
0x53: {  	_ =	shalt  }
0x54: {  	_ =	shalt  }
0x55: {  	_ =	shalt  }
0x56: {  	_ =	shalt  }
0x57: {  	_ =	shalt  }
0x58: {  	_ =	shalt  }
0x59: {  	_ =	shalt  }
0x5a: {  	_ =	shalt  }
0x5b: {  	_ =	shalt  }
0x5c: {  	_ =	shalt  }
0x5d: {  	_ =	shalt  }
0x5e: {  	_ =	shalt  }
0x5f: {  	_ =	shalt  }
0x60: {  	_ =	shalt  }
0x61: {  	_ =	shalt  }
0x62: {  	_ =	shalt  }
0x63: {  	_ =	shalt  }
0x64: {  	_ =	shalt  }
0x65: {  	_ =	shalt  }
0x66: {  	_ =	shalt  }
0x67: {  	_ =	shalt  }
0x68: {  	_ =	shalt  }
0x69: {  	_ =	shalt  }
0x6a: {  	_ =	shalt  }
0x6b: {  	_ =	shalt  }
0x6c: {  	_ =	shalt  }
0x6d: {  	_ =	shalt  }
0x6e: {  	_ =	shalt  }
0x6f: {  	_ =	shalt  }
0x70: {  	_ =	shalt  }
0x71: {  	_ =	shalt  }
0x72: {  	_ =	shalt  }
0x73: {  	_ =	shalt  }
0x74: {  	_ =	shalt  }
0x75: {  	_ =	shalt  }
0x76: {  	_ =	shalt  }
0x77: {  	_ =	shalt  }
0x78: {  	_ =	shalt  }
0x79: {  	_ =	shalt  }
0x7a: {  	_ =	shalt  }
0x7b: {  	_ =	shalt  }
0x7c: {  	_ =	shalt  }
0x7d: {  	_ =	shalt  }
0x7e: {  	_ =	shalt  }
0x7f: {  	_ =	shalt  }
0x80: {  	_ =	shalt  }
0x81: {  	_ =	shalt  }
0x82: {  	_ =	shalt  }
0x83: {  	_ =	shalt  }
0x84: {  	_ =	shalt  }
0x85: {  	_ =	shalt  }
0x86: {  	_ =	shalt  }
0x87: {  	_ =	shalt  }
.Lfunc_end0:
.L_simem_size_0:
called_computation.1_lowered:
.L_overlay_start_0:
0x88: {  	s2 =	sld [smem:$0x3FD9]  }
0x89: {  	s3 =	sld [smem:$0x3FFE];
	_ =	sdelay $0x1  }
0x8a: {  	s1 =	srdreg.scid  }
0x8b: {  	s0 =	sand.u32 $0x1, s1  }
0x8c: {  	s17 =	sshll.u32 s0, $0xA;
	s2 =	sadd.s32 s3, s2  }
0x8d: {  	s2 =	sadd.s32 s2, s17  }
0x8e: {  	[smem:$0x3FA9] =	sst s2  }
0x8f: {  	_ = 	snop  }
0x90: {  	s2 =	sld [smem:$0x3FD0];
	(tm) =	ssettm $0x1  }
0x91: {  	s18 =	sld [smem:$0x3FFB];
	_ =	sdelay $0x3  }
0x92: {  	_ =	strace s18  }
0x93: {  	s3 =	sld [smem:$0x3FFC];
	_ =	sdelay $0x3  }
0x94: {  	_ =	strace s3  }
0x95: {  	s3 =	sld [smem:$0x3FFD];
	_ =	sdelay $0x3  }
0x96: {  	_ =	strace s3  }
0x97: {  	_ =	strace $0x8FFFFFFF  }
0x98: {  	s19 =	sld [smem:$0x3FDB];
	_ =	sdelay $0x1  }
0x99: {  	s4 =	simm.s32 $_scs_section_size  }
0x9a: {  	s5 =	simm.s32 $_size__tile_overlayer_lowered;
	s6 =	simm.s32 $_tile_overlayer_lowered  }
0x9b: {  	s22 =	simm.s32 $0x1BFF;
	s21 =	sshll.u32 s6, $0x1;
	s3 =	sadd.s32 s4, s19  }
0x9c: {  	s7 =	simm.s32 $0x0;
	s20 =	sshll.u32 s5, $0x1;
	s5 =	sadd.s32 s21, s3  }
0x9d: {  	[timem:s7], [sflag:s22] =	dma.local [hbm:s5], s20  }
0x9e: {  	_ =	swait.ge [sflag:s22], s20  }
0x9f: {  	s4 =	ssub.s32 $0x0, s20;
	[sflag:s22] =	ssyncset.done $0x0  }
0xa0: {  	[sflag:s22] =	ssyncadd.s32 s4;
	_ =	sdelay $0x1  }
0xa1: {  	s23 =	simm.s32 $0x1B8B  }
0xa2: {  	_ =	swait.ge [sflag:s23], $0x1  }
0xa3: {  	[sflag:s23] =	ssyncset.done $0x0  }
0xa4: {  	s25 =	simm.s32 $0x1B8E;
	s24 =	sld [smem:$0x3FFE];
	[sflag:s23] =	ssyncadd.s32 $0xFFFFFFFF  }
0xa5: {  	s26 =	simm.s32 $execute0_lowered;
	[smem:$0x3FD2] =	sst s25  }
0xa6: {  	s5 =	sshll.u32 s26, $0x1;
	_ =	strace $0x80000049;
	[dreg:$0x1] =	wrdreg $0xFFFFFFFF  }
0xa7: {  	s28 =	simm.s32 $_size_execute0_lowered;
	s3 =	sadd.s32 s3, s5;
	[dreg:$0x0] =	wrdreg $0x0  }
0xa8: {  	s5 =	sshll.u32 s28, $0x1;
	[dreg:$0x2] =	wrdreg s3  }
0xa9: {  	[dreg:$0x3] =	wrdreg s5  }
0xaa: {  	[dreg:$0x4] =	wrdreg $0xC0  }
0xab: {  	_ =	task [dreg:s7], $0x5FFFF  }
0xac: {  	[dreg:$0x1] =	wrdreg $0xFFFFFFFF  }
0xad: {  	[dreg:$0x0] =	wrdreg $0x60  }
0xae: {  	[dreg:$0x2] =	wrdreg s24  }
0xaf: {  	[dreg:$0x3] =	wrdreg s2  }
0xb0: {  	[dreg:$0x4] =	wrdreg $0x9E200  }
0xb1: {  	[dreg:$0x5] =	wrdreg $0x9  }
0xb2: {  	_ =	task.clear_ibuf [dreg:s7], $0x6FFFF;
	_ =	strace $0x90000049  }
0xb3: {  	s29 =	simm.s32 $0x9;
	_ =	strace $0x8000004B  }
0xb4: {  	_ =	swait.ge [sflag:s29], $0x1  }
0xb5: {  	[sflag:s29] =	ssyncadd.s32 $0xFFFFFFFF  }
0xb6: {  	_ =	strace $0x9000004B  }
0xb7: {  	_ =	sfence  }
0xb8: {  	s30 =	sld [smem:$0x0];
	_ =	sdelay $0x2  }
0xb9: {  	s31 =	sshll.u32 s1, $0xD;
	s1 =	sshrl.u32 s1, $0x2  }
0xba: {  	s3 =	sand.u32 $0x4000, s31;
	s1 =	sadd.s32 s1, s30  }
0xbb: {  	s0 =	sor.u32 s3, s0;
	s1 =	sshll.u32 s1, $0x11  }
0xbc: {  	s0 =	sor.u32 s1, s0  }
0xbd: {  	s0 =	sadd.s32 $0x8F2B, s0  }
0xbe: {  	[sflag:s0] =	ssyncadd.remote.s32 $0x1  }
0xbf: {  	_ =	sfence.sel $0xFFFF  }
0xc0: {  	[dreg:$0x0] =	wrdreg $0xFFFFFFFF;
	(pc) =	sbr.abs _section_cstart, $3  }
0xc1: {  	[dreg:$0x1] =	wrdreg $0xFFFFFFFF  }
0xc2: {  	_ =	task.clear_ibuf [dreg:s7], $0x2FFFF;
	_ =	strace $0x9FFFFFFF  }
0xc3: {  	(tm) =	ssettm $0x7FFFFFFF  }
tec
execute0_lowered:
.L_overlay_start_1:
0x0: {  	(tag) =	ssettag $0x1  }
0x1: {  	s1 =	srdreg.scid;
	s5 =	rddreg [dreg:$0x0]  }
0x2: {  	s0 =	stileid.u32;
	s7 =	rddreg [dreg:$0x1]  }
0x3: {  	s2 =	rddreg [dreg:$0x2];
	s3 =	simm.s32 $0x0;
	s15 =	simm.s32 $0x1  }
0x4: {  	s16 =	simm.s32 $0x4DD0;
	s17 =	simm.s32 $0x0;
	s6 =	sand.u32 $0x1, s1  }
0x5: {  	s30 =	sshll.u32 s0, $0x1;
	s9 =	smul.u32 $0x14000, s0;
	[smem:$0x7FF] =	sst s3  }
0x6: {  	s4 =	sadd.s32 $0x6CE00, s5;
	s1 =	sor.u32 s6, s30;
	s10 =	smul.u32 $0x140000, s6  }
0x7: {  	s31 =	sshll.u32 s0, $0x6;
	s6 =	ssub.s32 $0x2, s6;
	s8 =	smul.u32 $0x4E2, s1  }
0x8: {  	s1 =	rddreg [dreg:$0x3];
	_ =	strace $0x8000004A;
	s12 =	sshrl.u32 s9, $0x3  }
0x9: {  	s13 =	sshrl.u32 s6, $0x1;
	s14 =	sadd.s32 s9, s2;
	s10 =	sadd.s32 s9, s10  }
0xa: {  	s12 =	sadd.s32 s12, s5;
	s13 =	ssub.s32 s6, s13;
	s11 =	sadd.s32 s8, s5  }
0xb: {  	s10 =	sshrl.u32 s10, $0x3;
	s6 =	sadd.s32 s7, s8;
	s7 =	sadd.s32 $0x94000, s12  }
0xc: {  	s9 =	smax.u32 s13, $0x1;
	s12 =	sshrl.u32 s14, $0x3;
	s13 =	simm.s32 $0x4E20  }
0xd: {  	s14 =	simm.s32 $0x50;
	s10 =	sadd.s32 s10, s5;
	s5 =	sadd.s32 $0x5A00, s11  }
0xe: {  	s11 =	sor.u32 $0x1C03, s31;
	s8 =	sadd.s32 $0xBC000, s10;
	s10 =	simm.s32 $0x3  }
.LBB2_1:
0xf: {  	[tilespmem:s3], [sflag:$0x3] =	stream.linear.gather [hbm4b:s5+s3], $0x2710, $0x38;
	[tilespmem:$0x1DE20] =	vst v63  }
0x10: {  	_ =	swait.ge [sflag:s10], $0x2710  }
0x11: {  	[sflag:s10] =	ssyncset.done $0x0  }
0x12: {  	s18 =	simm.s32 $0x2710;
	[sflag:s10] =	ssyncadd.s32 $0xFFFFD8F0  }
0x13: {  	[tilespmem:s18], [sflag:$0x3] =	stream.linear.gather [hbm4b:s6+s3], $0x2710, $0x38;
	[tilespmem:$0x1DE20] =	vst v63  }
0x14: {  	_ =	swait.ge [sflag:s10], $0x2710  }
0x15: {  	[sflag:s10] =	ssyncset.done $0x0  }
0x16: {  	s19 =	sand.u32 $0x1, s3;
	[sflag:s10] =	ssyncadd.s32 $0xFFFFD8F0  }
0x17: {  	[spmem:s12], [sflag:s11] =	dma.local [hbm:s7], $0x2800  }
0x18: {  	s20 =	sxor.u32 $0x1, s19;
	_ =	swait.ge [sflag:s10], $0x2800  }
0x19: {  	s21 =	smul.u32 $0xA000, s20;
	[sflag:s10] =	ssyncset.done $0x0  }
0x1a: {  	s31 =	simm.s32 $0x1;
	s29 =	smul.u32 $0xA000, s19;
	[sflag:s10] =	ssyncadd.s32 $0xFFFFD800  }
0x1b: {  	s30 =	sadd.s32 $0x1, s19;
	s21 =	sshrl.u32 s21, $0x2;
	[bflag:$0x0] =	sbarrier.arrive $0xFFFF  }
0x1c: {  	[tilespmem:s13], [sflag:$0x1] =	stream.indirect.gather [hbm4b:s4+s14], $0x80, s3, s14, $0xb8;
	[tilespmem:$0x1DE20] =	vst v63  }
0x1d: {  	s19 =	sand.u32 $0x1, s31;
	s20 =	sadd.s32 $0x1, s20;
	s21 =	sadd.s32 $0x4E20, s21  }
0x1e: {  	[tilespmem:s21], [sflag:s20] =	stream.indirect.gather [hbm4b:s4+s14], $0x80, s14, s14, $0xb8;
	[tilespmem:$0x1DE20] =	vst v63  }
0x1f: {  	s22 =	smul.u32 $0xA000, s19;
	_ =	swait.ge [sflag:s30], $0x2800  }
0x20: {  	s20 =	sshrl.u32 s29, $0x2;
	s21 =	sxor.u32 $0x1, s19;
	[sflag:s30] =	ssyncset.done $0x0  }
0x21: {  	s20 =	sadd.s32 $0x4E20, s20;
	s24 =	smul.u32 $0xA000, s21;
	[sflag:s30] =	ssyncadd.s32 $0xFFFFD800  }
0x22: {  	[spmem:s2] =	stream.indirect.scatter.add.f32 [tilespmem:s20], [sflag:$0x3], $0x80, s18, s14, $0xb8;
	[tilespmem:$0x1DE20] =	vst v63  }
0x23: {  	s23 =	simm.s32 $0x2;
	s20 =	simm.s32 $0xA0;
	s18 =	simm.s32 $0x2760  }
.LBB2_2:
0x24: {  	s24 =	sshrl.u32 s24, $0x2;
	s22 =	sshrl.u32 s22, $0x2;
	_ =	swait.ge [sflag:s10], $0x2800  }
0x25: {  	s25 =	smov.u32 s23;
	s26 =	smov.u32 s18;
	s28 =	sadd.s32 $0x1, s23  }
0x26: {  	p0 =	sne.s32 s23, $0x7B;
	s24 =	sadd.s32 $0x4E20, s24;
	[sflag:s10] =	ssyncset.done $0x0  }
0x27: {  	s21 =	sadd.s32 $0x1, s21;
	s23 =	sadd.s32 $0x1, s19;
	[sflag:s10] =	ssyncadd.s32 $0xFFFFD800  }
0x28: {  	[tilespmem:s24], [sflag:s21] =	stream.indirect.gather [hbm4b:s4+s14], $0x80, s20, s14, $0xb8;
	[tilespmem:$0x1DE20] =	vst v63  }
.Ltmp0:
0x29: {  	s18 =	sadd.s32 $0x50, s18;
	s20 =	sadd.s32 $0x50, s20;
	(pc) =	sbr.rel @p0 .LBB2_2-.Ltmp0, $4  }
0x2a: {  	s19 =	sand.u32 $0x1, s25;
	s25 =	sadd.s32 $0x4E20, s22;
	_ =	swait.ge [sflag:s23], $0x2800  }
0x2b: {  	s22 =	smul.u32 $0xA000, s19;
	s21 =	sxor.u32 $0x1, s19;
	[sflag:s23] =	ssyncset.done $0x0  }
0x2c: {  	s24 =	smul.u32 $0xA000, s21;
	[sflag:s23] =	ssyncadd.s32 $0xFFFFD800;
	s23 =	smov.u32 s28  }
0x2d: {  	[spmem:s2] =	stream.indirect.scatter.add.f32 [tilespmem:s25], [sflag:$0x3], $0x80, s26, s14, $0xb8;
	[tilespmem:$0x1DE20] =	vst v63  }
0x2e: {  	_ =	swait.ge [sflag:s10], $0x2800  }
0x2f: {  	s23 =	sshrl.u32 s24, $0x2;
	s21 =	sadd.s32 $0x1, s21;
	[sflag:s10] =	ssyncset.done $0x0  }
0x30: {  	s19 =	sadd.s32 $0x1, s19;
	s23 =	sadd.s32 $0x4E20, s23;
	[sflag:s10] =	ssyncadd.s32 $0xFFFFD800  }
0x31: {  	[tilespmem:s23], [sflag:s21] =	stream.indirect.gather [hbm4b:s4+s14], $0x80, s20, s14, $0xb8;
	[tilespmem:$0x1DE20] =	vst v63  }
0x32: {  	_ =	swait.ge [sflag:s19], $0x2800  }
0x33: {  	s31 =	sshrl.u32 s22, $0x2;
	[sflag:s19] =	ssyncset.done $0x0  }
0x34: {  	s20 =	sadd.s32 $0x4E20, s31;
	[sflag:s19] =	ssyncadd.s32 $0xFFFFD800  }
0x35: {  	[spmem:s2] =	stream.indirect.scatter.add.f32 [tilespmem:s20], [sflag:$0x3], $0x80, s18, s14, $0xb8;
	[tilespmem:$0x1DE20] =	vst v63  }
0x36: {  	_ =	swait.ge [sflag:s10], $0x2800  }
0x37: {  	[sflag:s10] =	ssyncset.done $0x0  }
0x38: {  	[sflag:s10] =	ssyncadd.s32 $0xFFFFD800  }
0x39: {  	_ =	swait.ge [sflag:s15], $0x2800  }
0x3a: {  	[sflag:s15] =	ssyncset.done $0x0  }
0x3b: {  	[sflag:s15] =	ssyncadd.s32 $0xFFFFD800  }
0x3c: {  	[spmem:s2] =	stream.indirect.scatter.add.f32 [tilespmem:s13], [sflag:$0x3], $0x80, s16, s14, $0xb8;
	[tilespmem:$0x1DE20] =	vst v63  }
0x3d: {  	_ =	swait.ge [sflag:s10], $0x2800  }
0x3e: {  	s17 =	sadd.s32 $0x1, s17;
	[sflag:s10] =	ssyncset.done $0x0  }
0x3f: {  	p0 =	sne.s32 s17, s9;
	[sflag:s10] =	ssyncadd.s32 $0xFFFFD800  }
.Ltmp1:
0x40: {  	[bflag:$0x0] =	sbarrier.arrive $0xFFFF;
	(pc) =	sbr.rel @p0 .LBB2_1-.Ltmp1, $4  }
0x41: {  	[hbm:s8], [sflag:s11] =	dma.local [spmem:s12], $0x2800  }
0x42: {  	_ =	swait.ge [sflag:s10], $0x2800  }
0x43: {  	[sflag:s10] =	ssyncset.done $0x0  }
0x44: {  	[sflag:s10] =	ssyncadd.s32 $0xFFFFD800  }
0x45: {  	_ =	sfence.sel $0x180000  }
0x46: {  	[bflag:$0x0] =	sbarrier.arrive $0xFFFF  }
0x47: {  	p0 =	sne.s32 s0, $0x0;
	_ =	strace $0x9000004A  }
0x48: {  	s0 =	sadd.s32 @!p0 $0x100000, s1;
	[bflag:$0x2] =	sbarrier.arrive $0xFFFF  }
0x49: {  	[sflag:s0] =	ssyncadd.tile.s32 @!p0 $0x1;
	_ =	shalt  }
.Lfunc_end2:
_tile_overlayer_lowered:
.L_overlay_start_2:
0x4a: {  	(tag) =	ssettag $0x2  }
0x4b: {  	s0 =	rddreg [dreg:$0x0];
	s2 =	stileid.u32  }
0x4c: {  	s1 =	rddreg [dreg:$0x1];
	p0 =	sne.s32 s2, $0x0  }
0x4d: {  	s3 =	rddreg [dreg:$0x2];
	[bflag:$0x3] =	sbarrier.arrive $0xFFFF;
	s2 =	simm.s32 @!p0 $0x1C03  }
0x4e: {  	[timem:s3], [sflag:s2] =	dma.local @!p0 [hbm:s0], s1  }
0x4f: {  	s0 =	simm.s32 @!p0 $0x3  }
0x50: {  	_ =	swait.ge @!p0 [sflag:s0], s1  }
0x51: {  	s1 =	ssub.s32 @!p0 $0x0, s1;
	[sflag:s0] =	ssyncset.done @!p0 $0x0  }
0x52: {  	[sflag:s0] =	ssyncadd.s32 @!p0 s1  }
0x53: {  	[bflag:$0x3] =	sbarrier.arrive $0xFFFF  }
0x54: {  	_ =	shalt  }

// kernel: kernel.17.cloned.1.call-start
scs
__scs_entry_jumppad:
0x0: {  	(pc) =	sbr.rel $0x88, $3  }
0x1: {  	(tag) =	ssettag $0x0;
	lr =	simm.s32 $0x1  }
0x2: {  	[smem:$0x3F82] =	sst lr;
	_ =	strace $0xD0000000  }
0x3: {  	_ = 	snop  }
0x4: {  	_ = 	snop  }
0x5: {  	_ = 	snop  }
0x6: {  	_ = 	snop  }
0x7: {  	_ = 	snop  }
__scs_overlays_trampoline_lowered:
0x8: {  	[smem:$0x3F91] =	sst s0  }
0x9: {  	[smem:$0x3F92] =	sst s1  }
0xa: {  	[smem:$0x3F93] =	sst s2  }
0xb: {  	[smem:$0x3F94] =	sst s3  }
0xc: {  	[smem:$0x3F95] =	sst s4  }
0xd: {  	[smem:$0x3F96] =	sst s5  }
0xe: {  	[smem:$0x3F97] =	sst s6  }
0xf: {  	[smem:$0x3F98] =	sst s7  }
0x10: {  	[smem:$0x3F99] =	sst s8  }
0x11: {  	[smem:$0x3F9A] =	sst s9;
	s0 =	simm.s32 @!p0 $0x0  }
0x12: {  	s1 =	sld [smem:$0x3F80];
	s0 =	simm.s32 @p0 $0x1  }
0x13: {  	[smem:$0x3F9B] =	sst s0;
	s0 =	simm.s32 @!p1 $0x0  }
0x14: {  	s2 =	sld [smem:$0x3F7F];
	s0 =	simm.s32 @p1 $0x1  }
0x15: {  	[smem:$0x3F9C] =	sst s0;
	s0 =	simm.s32 @!p2 $0x0  }
0x16: {  	s3 =	sld [smem:$0x3FDB];
	s0 =	simm.s32 @p2 $0x1  }
0x17: {  	s4 =	simm.s32 $0x1BF5;
	[smem:$0x3F9E] =	sst s0  }
0x18: {  	s0 =	sld [smem:$0x3F81];
	_ =	swait.ge [sflag:s4], $0x0  }
0x19: {  	s7 =	sld [smem:$0x3F82]  }
0x1a: {  	s8 =	sadd.s32 $0xFFFFE003, lr  }
0x1b: {  	s9 =	sadd.s32 $0xFFFFFEF7, lr;
	s5 =	simm.s32 $0xFFFFFFFF;
	p2 =	slt.u32 s8, $0xFFFFF086  }
0x1c: {  	p1 =	slt.u32 s9, $0xF7A;
	s5 =	simm.s32 @!p2 $0x0  }
0x1d: {  	s5 =	simm.s32 @p1 $0x1;
	p0 =	seq.s32 s7, s2  }
0x1e: {  	s7 =	smul.u32 @!p0 $0xF7A, s2;
	p2 =	seq.s32 @!p0 s5, $0x0  }
0x1f: {  	s9 =	smul.u32 $0xF7A, s1;
	s8 =	simm.s32 @!p0 $0x1BF5;
	p2 =	por !p2, p0  }
0x20: {  	[sflag:s8] =	ssyncset.s32 @!p0 $0xFFFFF086;
	s6 =	sadd.s32 @!p0 s3, s7;
	s7 =	simm.s32 @!p0 $0x108  }
0x21: {  	s3 =	sadd.s32 s3, s9;
	s6 =	sadd.s32 @!p0 $0x88, s6;
	s7 =	simm.s32 @p2 $0x1082  }
0x22: {  	[simem:s7], [sflag:s8] =	dma.local @!p0 [hbm:s6], $0xF7A  }
0x23: {  	s9 =	sor.u32 $0xD0000000, s2;
	s6 =	simm.s32 $0x108;
	_ =	swait.ge @!p0 [sflag:s8], $0x0  }
0x24: {  	s3 =	sadd.s32 $0x88, s3;
	s6 =	simm.s32 @!p1 $0x1082;
	[sflag:s4] =	ssyncset.s32 $0xFFFFF086  }
0x25: {  	[simem:s6], [sflag:s4] =	dma.local [hbm:s3], $0xF7A  }
0x26: {  	[smem:$0x3F82] =	sst s1;
	(tag) =	ssettag s2;
	_ =	strace s9  }
0x27: {  	s1 =	sld [smem:$0x3F92]  }
0x28: {  	s2 =	sld [smem:$0x3F93]  }
0x29: {  	s4 =	sld [smem:$0x3F95]  }
0x2a: {  	p0 =	seq.s32 s5, $0x0;
	s5 =	sld [smem:$0x3F96]  }
0x2b: {  	s6 =	sld [smem:$0x3F97]  }
0x2c: {  	s7 =	sld [smem:$0x3F98]  }
0x2d: {  	s3 =	simm.s32 $0x108;
	s8 =	sld [smem:$0x3F99]  }
0x2e: {  	s3 =	simm.s32 @!p0 $0x1082;
	s9 =	sld [smem:$0x3F9A]  }
0x2f: {  	lr =	sadd.s32 s0, s3;
	s0 =	sld [smem:$0x3F91]  }
0x30: {  	s3 =	sld [smem:$0x3F94]  }
0x31: {  	[smem:$0x3F9D] =	sst s10  }
0x32: {  	s10 =	sld [smem:$0x3F9B];
	_ =	sdelay $0x3  }
0x33: {  	p0 =	seq.s32 s10, $0x1;
	s10 =	sld [smem:$0x3F9D];
	_ =	sdelay $0x3  }
0x34: {  	[smem:$0x3F9D] =	sst s10  }
0x35: {  	s10 =	sld [smem:$0x3F9C];
	_ =	sdelay $0x3  }
0x36: {  	p1 =	seq.s32 s10, $0x1;
	s10 =	sld [smem:$0x3F9D];
	_ =	sdelay $0x3  }
0x37: {  	[smem:$0x3F9D] =	sst s10  }
0x38: {  	s10 =	sld [smem:$0x3F9E]  }
0x39: {  	_ = 	snop;
	(pc) =	sbr.ind lr, $3  }
0x3a: {  	_ = 	snop  }
0x3b: {  	_ = 	snop  }
0x3c: {  	p2 =	seq.s32 s10, $0x1;
	s10 =	sld [smem:$0x3F9D]  }
0x3d: {  	_ =	shalt  }
0x3e: {  	_ =	shalt  }
0x3f: {  	_ =	shalt  }
0x40: {  	_ =	shalt  }
0x41: {  	_ =	shalt  }
0x42: {  	_ =	shalt  }
0x43: {  	_ =	shalt  }
0x44: {  	_ =	shalt  }
0x45: {  	_ =	shalt  }
0x46: {  	_ =	shalt  }
0x47: {  	_ =	shalt  }
0x48: {  	_ =	shalt  }
0x49: {  	_ =	shalt  }
0x4a: {  	_ =	shalt  }
0x4b: {  	_ =	shalt  }
0x4c: {  	_ =	shalt  }
0x4d: {  	_ =	shalt  }
0x4e: {  	_ =	shalt  }
0x4f: {  	_ =	shalt  }
0x50: {  	_ =	shalt  }
0x51: {  	_ =	shalt  }
0x52: {  	_ =	shalt  }
0x53: {  	_ =	shalt  }
0x54: {  	_ =	shalt  }
0x55: {  	_ =	shalt  }
0x56: {  	_ =	shalt  }
0x57: {  	_ =	shalt  }
0x58: {  	_ =	shalt  }
0x59: {  	_ =	shalt  }
0x5a: {  	_ =	shalt  }
0x5b: {  	_ =	shalt  }
0x5c: {  	_ =	shalt  }
0x5d: {  	_ =	shalt  }
0x5e: {  	_ =	shalt  }
0x5f: {  	_ =	shalt  }
0x60: {  	_ =	shalt  }
0x61: {  	_ =	shalt  }
0x62: {  	_ =	shalt  }
0x63: {  	_ =	shalt  }
0x64: {  	_ =	shalt  }
0x65: {  	_ =	shalt  }
0x66: {  	_ =	shalt  }
0x67: {  	_ =	shalt  }
0x68: {  	_ =	shalt  }
0x69: {  	_ =	shalt  }
0x6a: {  	_ =	shalt  }
0x6b: {  	_ =	shalt  }
0x6c: {  	_ =	shalt  }
0x6d: {  	_ =	shalt  }
0x6e: {  	_ =	shalt  }
0x6f: {  	_ =	shalt  }
0x70: {  	_ =	shalt  }
0x71: {  	_ =	shalt  }
0x72: {  	_ =	shalt  }
0x73: {  	_ =	shalt  }
0x74: {  	_ =	shalt  }
0x75: {  	_ =	shalt  }
0x76: {  	_ =	shalt  }
0x77: {  	_ =	shalt  }
0x78: {  	_ =	shalt  }
0x79: {  	_ =	shalt  }
0x7a: {  	_ =	shalt  }
0x7b: {  	_ =	shalt  }
0x7c: {  	_ =	shalt  }
0x7d: {  	_ =	shalt  }
0x7e: {  	_ =	shalt  }
0x7f: {  	_ =	shalt  }
0x80: {  	_ =	shalt  }
0x81: {  	_ =	shalt  }
0x82: {  	_ =	shalt  }
0x83: {  	_ =	shalt  }
0x84: {  	_ =	shalt  }
0x85: {  	_ =	shalt  }
0x86: {  	_ =	shalt  }
0x87: {  	_ =	shalt  }
.Lfunc_end0:
.L_simem_size_0:
called_computation.2_lowered:
.L_overlay_start_0:
0x88: {  	s2 =	sld [smem:$0x3FD9]  }
0x89: {  	s3 =	sld [smem:$0x3FFE];
	_ =	sdelay $0x1  }
0x8a: {  	s1 =	srdreg.scid  }
0x8b: {  	s0 =	sand.u32 $0x1, s1  }
0x8c: {  	s17 =	sshll.u32 s0, $0xA;
	s2 =	sadd.s32 s3, s2  }
0x8d: {  	s2 =	sadd.s32 s2, s17  }
0x8e: {  	[smem:$0x3FA9] =	sst s2  }
0x8f: {  	_ = 	snop  }
0x90: {  	s2 =	sld [smem:$0x3FD0];
	(tm) =	ssettm $0x1  }
0x91: {  	s18 =	sld [smem:$0x3FFB];
	_ =	sdelay $0x3  }
0x92: {  	_ =	strace s18  }
0x93: {  	s3 =	sld [smem:$0x3FFC];
	_ =	sdelay $0x3  }
0x94: {  	_ =	strace s3  }
0x95: {  	s3 =	sld [smem:$0x3FFD];
	_ =	sdelay $0x3  }
0x96: {  	_ =	strace s3  }
0x97: {  	_ =	strace $0x8FFFFFFF  }
0x98: {  	s19 =	sld [smem:$0x3FDB];
	_ =	sdelay $0x1  }
0x99: {  	s4 =	simm.s32 $_scs_section_size  }
0x9a: {  	s5 =	simm.s32 $_size__tile_overlayer_lowered;
	s6 =	simm.s32 $_tile_overlayer_lowered  }
0x9b: {  	s22 =	simm.s32 $0x1BFF;
	s21 =	sshll.u32 s6, $0x1;
	s3 =	sadd.s32 s4, s19  }
0x9c: {  	s7 =	simm.s32 $0x0;
	s20 =	sshll.u32 s5, $0x1;
	s5 =	sadd.s32 s21, s3  }
0x9d: {  	[timem:s7], [sflag:s22] =	dma.local [hbm:s5], s20  }
0x9e: {  	_ =	swait.ge [sflag:s22], s20  }
0x9f: {  	s4 =	ssub.s32 $0x0, s20;
	[sflag:s22] =	ssyncset.done $0x0  }
0xa0: {  	[sflag:s22] =	ssyncadd.s32 s4;
	_ =	sdelay $0x1  }
0xa1: {  	s23 =	simm.s32 $0x1B8B  }
0xa2: {  	_ =	swait.ge [sflag:s23], $0x1  }
0xa3: {  	[sflag:s23] =	ssyncset.done $0x0  }
0xa4: {  	s25 =	simm.s32 $0x1B8E;
	s24 =	sld [smem:$0x3FFE];
	[sflag:s23] =	ssyncadd.s32 $0xFFFFFFFF  }
0xa5: {  	s26 =	simm.s32 $execute0_lowered;
	[smem:$0x3FD2] =	sst s25  }
0xa6: {  	s5 =	sshll.u32 s26, $0x1;
	_ =	strace $0x8000004C;
	[dreg:$0x1] =	wrdreg $0xFFFFFFFF  }
0xa7: {  	s28 =	simm.s32 $_size_execute0_lowered;
	s3 =	sadd.s32 s3, s5;
	[dreg:$0x0] =	wrdreg $0x0  }
0xa8: {  	s5 =	sshll.u32 s28, $0x1;
	[dreg:$0x2] =	wrdreg s3  }
0xa9: {  	[dreg:$0x3] =	wrdreg s5  }
0xaa: {  	[dreg:$0x4] =	wrdreg $0xC0  }
0xab: {  	_ =	task [dreg:s7], $0x5FFFF  }
0xac: {  	[dreg:$0x1] =	wrdreg $0xFFFFFFFF  }
0xad: {  	[dreg:$0x0] =	wrdreg $0x60  }
0xae: {  	[dreg:$0x2] =	wrdreg s24  }
0xaf: {  	[dreg:$0x3] =	wrdreg s2  }
0xb0: {  	[dreg:$0x4] =	wrdreg $0x9E200  }
0xb1: {  	[dreg:$0x5] =	wrdreg $0x9  }
0xb2: {  	_ =	task.clear_ibuf [dreg:s7], $0x6FFFF;
	_ =	strace $0x9000004C  }
0xb3: {  	s29 =	simm.s32 $0x9;
	_ =	strace $0x8000004E  }
0xb4: {  	_ =	swait.ge [sflag:s29], $0x1  }
0xb5: {  	[sflag:s29] =	ssyncadd.s32 $0xFFFFFFFF  }
0xb6: {  	_ =	strace $0x9000004E  }
0xb7: {  	_ =	sfence  }
0xb8: {  	s30 =	sld [smem:$0x0];
	_ =	sdelay $0x2  }
0xb9: {  	s31 =	sshll.u32 s1, $0xD;
	s1 =	sshrl.u32 s1, $0x2  }
0xba: {  	s3 =	sand.u32 $0x4000, s31;
	s1 =	sadd.s32 s1, s30  }
0xbb: {  	s0 =	sor.u32 s3, s0;
	s1 =	sshll.u32 s1, $0x11  }
0xbc: {  	s0 =	sor.u32 s1, s0  }
0xbd: {  	s0 =	sadd.s32 $0x8F2B, s0  }
0xbe: {  	[sflag:s0] =	ssyncadd.remote.s32 $0x1  }
0xbf: {  	_ =	sfence.sel $0xFFFF  }
0xc0: {  	[dreg:$0x0] =	wrdreg $0xFFFFFFFF;
	(pc) =	sbr.abs _section_cstart, $3  }
0xc1: {  	[dreg:$0x1] =	wrdreg $0xFFFFFFFF  }
0xc2: {  	_ =	task.clear_ibuf [dreg:s7], $0x2FFFF;
	_ =	strace $0x9FFFFFFF  }
0xc3: {  	(tm) =	ssettm $0x7FFFFFFF  }
tec
execute0_lowered:
.L_overlay_start_1:
0x0: {  	(tag) =	ssettag $0x1  }
0x1: {  	s1 =	srdreg.scid;
	s5 =	rddreg [dreg:$0x0]  }
0x2: {  	s0 =	stileid.u32;
	s7 =	rddreg [dreg:$0x1]  }
0x3: {  	s2 =	rddreg [dreg:$0x2];
	s3 =	simm.s32 $0x0;
	s15 =	simm.s32 $0x1  }
0x4: {  	s16 =	simm.s32 $0x4DD0;
	s17 =	simm.s32 $0x0;
	s6 =	sand.u32 $0x1, s1  }
0x5: {  	s30 =	sshll.u32 s0, $0x1;
	s9 =	smul.u32 $0x14000, s0;
	[smem:$0x7FF] =	sst s3  }
0x6: {  	s4 =	sadd.s32 $0x6CE00, s5;
	s1 =	sor.u32 s6, s30;
	s10 =	smul.u32 $0x140000, s6  }
0x7: {  	s31 =	sshll.u32 s0, $0x6;
	s6 =	ssub.s32 $0x2, s6;
	s8 =	smul.u32 $0x4E2, s1  }
0x8: {  	s1 =	rddreg [dreg:$0x3];
	_ =	strace $0x8000004D;
	s12 =	sshrl.u32 s9, $0x3  }
0x9: {  	s13 =	sshrl.u32 s6, $0x1;
	s14 =	sadd.s32 s9, s2;
	s10 =	sadd.s32 s9, s10  }
0xa: {  	s12 =	sadd.s32 s12, s5;
	s13 =	ssub.s32 s6, s13;
	s11 =	sadd.s32 s8, s5  }
0xb: {  	s10 =	sshrl.u32 s10, $0x3;
	s6 =	sadd.s32 s7, s8;
	s7 =	sadd.s32 $0x94000, s12  }
0xc: {  	s9 =	smax.u32 s13, $0x1;
	s12 =	sshrl.u32 s14, $0x3;
	s13 =	simm.s32 $0x4E20  }
0xd: {  	s14 =	simm.s32 $0x50;
	s10 =	sadd.s32 s10, s5;
	s5 =	sadd.s32 $0x5A00, s11  }
0xe: {  	s11 =	sor.u32 $0x1C03, s31;
	s8 =	sadd.s32 $0xBC000, s10;
	s10 =	simm.s32 $0x3  }
.LBB2_1:
0xf: {  	[tilespmem:s3], [sflag:$0x3] =	stream.linear.gather [hbm4b:s5+s3], $0x2710, $0x38;
	[tilespmem:$0x1DE20] =	vst v63  }
0x10: {  	_ =	swait.ge [sflag:s10], $0x2710  }
0x11: {  	[sflag:s10] =	ssyncset.done $0x0  }
0x12: {  	s18 =	simm.s32 $0x2710;
	[sflag:s10] =	ssyncadd.s32 $0xFFFFD8F0  }
0x13: {  	[tilespmem:s18], [sflag:$0x3] =	stream.linear.gather [hbm4b:s6+s3], $0x2710, $0x38;
	[tilespmem:$0x1DE20] =	vst v63  }
0x14: {  	_ =	swait.ge [sflag:s10], $0x2710  }
0x15: {  	[sflag:s10] =	ssyncset.done $0x0  }
0x16: {  	s19 =	sand.u32 $0x1, s3;
	[sflag:s10] =	ssyncadd.s32 $0xFFFFD8F0  }
0x17: {  	[spmem:s12], [sflag:s11] =	dma.local [hbm:s7], $0x2800  }
0x18: {  	s20 =	sxor.u32 $0x1, s19;
	_ =	swait.ge [sflag:s10], $0x2800  }
0x19: {  	s21 =	smul.u32 $0xA000, s20;
	[sflag:s10] =	ssyncset.done $0x0  }
0x1a: {  	s31 =	simm.s32 $0x1;
	s29 =	smul.u32 $0xA000, s19;
	[sflag:s10] =	ssyncadd.s32 $0xFFFFD800  }
0x1b: {  	s30 =	sadd.s32 $0x1, s19;
	s21 =	sshrl.u32 s21, $0x2;
	[bflag:$0x0] =	sbarrier.arrive $0xFFFF  }
0x1c: {  	[tilespmem:s13], [sflag:$0x1] =	stream.indirect.gather [hbm4b:s4+s14], $0x80, s3, s14, $0xb8;
	[tilespmem:$0x1DE20] =	vst v63  }
0x1d: {  	s19 =	sand.u32 $0x1, s31;
	s20 =	sadd.s32 $0x1, s20;
	s21 =	sadd.s32 $0x4E20, s21  }
0x1e: {  	[tilespmem:s21], [sflag:s20] =	stream.indirect.gather [hbm4b:s4+s14], $0x80, s14, s14, $0xb8;
	[tilespmem:$0x1DE20] =	vst v63  }
0x1f: {  	s22 =	smul.u32 $0xA000, s19;
	_ =	swait.ge [sflag:s30], $0x2800  }
0x20: {  	s20 =	sshrl.u32 s29, $0x2;
	s21 =	sxor.u32 $0x1, s19;
	[sflag:s30] =	ssyncset.done $0x0  }
0x21: {  	s20 =	sadd.s32 $0x4E20, s20;
	s24 =	smul.u32 $0xA000, s21;
	[sflag:s30] =	ssyncadd.s32 $0xFFFFD800  }
0x22: {  	[spmem:s2] =	stream.indirect.scatter.add.f32 [tilespmem:s20], [sflag:$0x3], $0x80, s18, s14, $0xb8;
	[tilespmem:$0x1DE20] =	vst v63  }
0x23: {  	s23 =	simm.s32 $0x2;
	s20 =	simm.s32 $0xA0;
	s18 =	simm.s32 $0x2760  }
.LBB2_2:
0x24: {  	s24 =	sshrl.u32 s24, $0x2;
	s22 =	sshrl.u32 s22, $0x2;
	_ =	swait.ge [sflag:s10], $0x2800  }
0x25: {  	s25 =	smov.u32 s23;
	s26 =	smov.u32 s18;
	s28 =	sadd.s32 $0x1, s23  }
0x26: {  	p0 =	sne.s32 s23, $0x7B;
	s24 =	sadd.s32 $0x4E20, s24;
	[sflag:s10] =	ssyncset.done $0x0  }
0x27: {  	s21 =	sadd.s32 $0x1, s21;
	s23 =	sadd.s32 $0x1, s19;
	[sflag:s10] =	ssyncadd.s32 $0xFFFFD800  }
0x28: {  	[tilespmem:s24], [sflag:s21] =	stream.indirect.gather [hbm4b:s4+s14], $0x80, s20, s14, $0xb8;
	[tilespmem:$0x1DE20] =	vst v63  }
.Ltmp0:
0x29: {  	s18 =	sadd.s32 $0x50, s18;
	s20 =	sadd.s32 $0x50, s20;
	(pc) =	sbr.rel @p0 .LBB2_2-.Ltmp0, $4  }
0x2a: {  	s19 =	sand.u32 $0x1, s25;
	s25 =	sadd.s32 $0x4E20, s22;
	_ =	swait.ge [sflag:s23], $0x2800  }
0x2b: {  	s22 =	smul.u32 $0xA000, s19;
	s21 =	sxor.u32 $0x1, s19;
	[sflag:s23] =	ssyncset.done $0x0  }
0x2c: {  	s24 =	smul.u32 $0xA000, s21;
	[sflag:s23] =	ssyncadd.s32 $0xFFFFD800;
	s23 =	smov.u32 s28  }
0x2d: {  	[spmem:s2] =	stream.indirect.scatter.add.f32 [tilespmem:s25], [sflag:$0x3], $0x80, s26, s14, $0xb8;
	[tilespmem:$0x1DE20] =	vst v63  }
0x2e: {  	_ =	swait.ge [sflag:s10], $0x2800  }
0x2f: {  	s23 =	sshrl.u32 s24, $0x2;
	s21 =	sadd.s32 $0x1, s21;
	[sflag:s10] =	ssyncset.done $0x0  }
0x30: {  	s19 =	sadd.s32 $0x1, s19;
	s23 =	sadd.s32 $0x4E20, s23;
	[sflag:s10] =	ssyncadd.s32 $0xFFFFD800  }
0x31: {  	[tilespmem:s23], [sflag:s21] =	stream.indirect.gather [hbm4b:s4+s14], $0x80, s20, s14, $0xb8;
	[tilespmem:$0x1DE20] =	vst v63  }
0x32: {  	_ =	swait.ge [sflag:s19], $0x2800  }
0x33: {  	s31 =	sshrl.u32 s22, $0x2;
	[sflag:s19] =	ssyncset.done $0x0  }
0x34: {  	s20 =	sadd.s32 $0x4E20, s31;
	[sflag:s19] =	ssyncadd.s32 $0xFFFFD800  }
0x35: {  	[spmem:s2] =	stream.indirect.scatter.add.f32 [tilespmem:s20], [sflag:$0x3], $0x80, s18, s14, $0xb8;
	[tilespmem:$0x1DE20] =	vst v63  }
0x36: {  	_ =	swait.ge [sflag:s10], $0x2800  }
0x37: {  	[sflag:s10] =	ssyncset.done $0x0  }
0x38: {  	[sflag:s10] =	ssyncadd.s32 $0xFFFFD800  }
0x39: {  	_ =	swait.ge [sflag:s15], $0x2800  }
0x3a: {  	[sflag:s15] =	ssyncset.done $0x0  }
0x3b: {  	[sflag:s15] =	ssyncadd.s32 $0xFFFFD800  }
0x3c: {  	[spmem:s2] =	stream.indirect.scatter.add.f32 [tilespmem:s13], [sflag:$0x3], $0x80, s16, s14, $0xb8;
	[tilespmem:$0x1DE20] =	vst v63  }
0x3d: {  	_ =	swait.ge [sflag:s10], $0x2800  }
0x3e: {  	s17 =	sadd.s32 $0x1, s17;
	[sflag:s10] =	ssyncset.done $0x0  }
0x3f: {  	p0 =	sne.s32 s17, s9;
	[sflag:s10] =	ssyncadd.s32 $0xFFFFD800  }
.Ltmp1:
0x40: {  	[bflag:$0x0] =	sbarrier.arrive $0xFFFF;
	(pc) =	sbr.rel @p0 .LBB2_1-.Ltmp1, $4  }
0x41: {  	[hbm:s8], [sflag:s11] =	dma.local [spmem:s12], $0x2800  }
0x42: {  	_ =	swait.ge [sflag:s10], $0x2800  }
0x43: {  	[sflag:s10] =	ssyncset.done $0x0  }
0x44: {  	[sflag:s10] =	ssyncadd.s32 $0xFFFFD800  }
0x45: {  	_ =	sfence.sel $0x180000  }
0x46: {  	[bflag:$0x0] =	sbarrier.arrive $0xFFFF  }
0x47: {  	p0 =	sne.s32 s0, $0x0;
	_ =	strace $0x9000004D  }
0x48: {  	s0 =	sadd.s32 @!p0 $0x100000, s1;
	[bflag:$0x2] =	sbarrier.arrive $0xFFFF  }
0x49: {  	[sflag:s0] =	ssyncadd.tile.s32 @!p0 $0x1;
	_ =	shalt  }
.Lfunc_end2:
_tile_overlayer_lowered:
.L_overlay_start_2:
0x4a: {  	(tag) =	ssettag $0x2  }
0x4b: {  	s0 =	rddreg [dreg:$0x0];
	s2 =	stileid.u32  }
0x4c: {  	s1 =	rddreg [dreg:$0x1];
	p0 =	sne.s32 s2, $0x0  }
0x4d: {  	s3 =	rddreg [dreg:$0x2];
	[bflag:$0x3] =	sbarrier.arrive $0xFFFF;
	s2 =	simm.s32 @!p0 $0x1C03  }
0x4e: {  	[timem:s3], [sflag:s2] =	dma.local @!p0 [hbm:s0], s1  }
0x4f: {  	s0 =	simm.s32 @!p0 $0x3  }
0x50: {  	_ =	swait.ge @!p0 [sflag:s0], s1  }
0x51: {  	s1 =	ssub.s32 @!p0 $0x0, s1;
	[sflag:s0] =	ssyncset.done @!p0 $0x0  }
0x52: {  	[sflag:s0] =	ssyncadd.s32 @!p0 s1  }
0x53: {  	[bflag:$0x3] =	sbarrier.arrive $0xFFFF  }
0x54: {  	_ =	shalt  }

// kernel: kernel.20.cloned.1.call-start
scs
__scs_entry_jumppad:
0x0: {  	(pc) =	sbr.rel $0x88, $3  }
0x1: {  	(tag) =	ssettag $0x0;
	lr =	simm.s32 $0x1  }
0x2: {  	[smem:$0x3F82] =	sst lr;
	_ =	strace $0xD0000000  }
0x3: {  	_ = 	snop  }
0x4: {  	_ = 	snop  }
0x5: {  	_ = 	snop  }
0x6: {  	_ = 	snop  }
0x7: {  	_ = 	snop  }
__scs_overlays_trampoline_lowered:
0x8: {  	[smem:$0x3F91] =	sst s0  }
0x9: {  	[smem:$0x3F92] =	sst s1  }
0xa: {  	[smem:$0x3F93] =	sst s2  }
0xb: {  	[smem:$0x3F94] =	sst s3  }
0xc: {  	[smem:$0x3F95] =	sst s4  }
0xd: {  	[smem:$0x3F96] =	sst s5  }
0xe: {  	[smem:$0x3F97] =	sst s6  }
0xf: {  	[smem:$0x3F98] =	sst s7  }
0x10: {  	[smem:$0x3F99] =	sst s8  }
0x11: {  	[smem:$0x3F9A] =	sst s9;
	s0 =	simm.s32 @!p0 $0x0  }
0x12: {  	s1 =	sld [smem:$0x3F80];
	s0 =	simm.s32 @p0 $0x1  }
0x13: {  	[smem:$0x3F9B] =	sst s0;
	s0 =	simm.s32 @!p1 $0x0  }
0x14: {  	s2 =	sld [smem:$0x3F7F];
	s0 =	simm.s32 @p1 $0x1  }
0x15: {  	[smem:$0x3F9C] =	sst s0;
	s0 =	simm.s32 @!p2 $0x0  }
0x16: {  	s3 =	sld [smem:$0x3FDB];
	s0 =	simm.s32 @p2 $0x1  }
0x17: {  	s4 =	simm.s32 $0x1BF5;
	[smem:$0x3F9E] =	sst s0  }
0x18: {  	s0 =	sld [smem:$0x3F81];
	_ =	swait.ge [sflag:s4], $0x0  }
0x19: {  	s7 =	sld [smem:$0x3F82]  }
0x1a: {  	s8 =	sadd.s32 $0xFFFFE003, lr  }
0x1b: {  	s9 =	sadd.s32 $0xFFFFFEF7, lr;
	s5 =	simm.s32 $0xFFFFFFFF;
	p2 =	slt.u32 s8, $0xFFFFF086  }
0x1c: {  	p1 =	slt.u32 s9, $0xF7A;
	s5 =	simm.s32 @!p2 $0x0  }
0x1d: {  	s5 =	simm.s32 @p1 $0x1;
	p0 =	seq.s32 s7, s2  }
0x1e: {  	s7 =	smul.u32 @!p0 $0xF7A, s2;
	p2 =	seq.s32 @!p0 s5, $0x0  }
0x1f: {  	s9 =	smul.u32 $0xF7A, s1;
	s8 =	simm.s32 @!p0 $0x1BF5;
	p2 =	por !p2, p0  }
0x20: {  	[sflag:s8] =	ssyncset.s32 @!p0 $0xFFFFF086;
	s6 =	sadd.s32 @!p0 s3, s7;
	s7 =	simm.s32 @!p0 $0x108  }
0x21: {  	s3 =	sadd.s32 s3, s9;
	s6 =	sadd.s32 @!p0 $0x88, s6;
	s7 =	simm.s32 @p2 $0x1082  }
0x22: {  	[simem:s7], [sflag:s8] =	dma.local @!p0 [hbm:s6], $0xF7A  }
0x23: {  	s9 =	sor.u32 $0xD0000000, s2;
	s6 =	simm.s32 $0x108;
	_ =	swait.ge @!p0 [sflag:s8], $0x0  }
0x24: {  	s3 =	sadd.s32 $0x88, s3;
	s6 =	simm.s32 @!p1 $0x1082;
	[sflag:s4] =	ssyncset.s32 $0xFFFFF086  }
0x25: {  	[simem:s6], [sflag:s4] =	dma.local [hbm:s3], $0xF7A  }
0x26: {  	[smem:$0x3F82] =	sst s1;
	(tag) =	ssettag s2;
	_ =	strace s9  }
0x27: {  	s1 =	sld [smem:$0x3F92]  }
0x28: {  	s2 =	sld [smem:$0x3F93]  }
0x29: {  	s4 =	sld [smem:$0x3F95]  }
0x2a: {  	p0 =	seq.s32 s5, $0x0;
	s5 =	sld [smem:$0x3F96]  }
0x2b: {  	s6 =	sld [smem:$0x3F97]  }
0x2c: {  	s7 =	sld [smem:$0x3F98]  }
0x2d: {  	s3 =	simm.s32 $0x108;
	s8 =	sld [smem:$0x3F99]  }
0x2e: {  	s3 =	simm.s32 @!p0 $0x1082;
	s9 =	sld [smem:$0x3F9A]  }
0x2f: {  	lr =	sadd.s32 s0, s3;
	s0 =	sld [smem:$0x3F91]  }
0x30: {  	s3 =	sld [smem:$0x3F94]  }
0x31: {  	[smem:$0x3F9D] =	sst s10  }
0x32: {  	s10 =	sld [smem:$0x3F9B];
	_ =	sdelay $0x3  }
0x33: {  	p0 =	seq.s32 s10, $0x1;
	s10 =	sld [smem:$0x3F9D];
	_ =	sdelay $0x3  }
0x34: {  	[smem:$0x3F9D] =	sst s10  }
0x35: {  	s10 =	sld [smem:$0x3F9C];
	_ =	sdelay $0x3  }
0x36: {  	p1 =	seq.s32 s10, $0x1;
	s10 =	sld [smem:$0x3F9D];
	_ =	sdelay $0x3  }
0x37: {  	[smem:$0x3F9D] =	sst s10  }
0x38: {  	s10 =	sld [smem:$0x3F9E]  }
0x39: {  	_ = 	snop;
	(pc) =	sbr.ind lr, $3  }
0x3a: {  	_ = 	snop  }
0x3b: {  	_ = 	snop  }
0x3c: {  	p2 =	seq.s32 s10, $0x1;
	s10 =	sld [smem:$0x3F9D]  }
0x3d: {  	_ =	shalt  }
0x3e: {  	_ =	shalt  }
0x3f: {  	_ =	shalt  }
0x40: {  	_ =	shalt  }
0x41: {  	_ =	shalt  }
0x42: {  	_ =	shalt  }
0x43: {  	_ =	shalt  }
0x44: {  	_ =	shalt  }
0x45: {  	_ =	shalt  }
0x46: {  	_ =	shalt  }
0x47: {  	_ =	shalt  }
0x48: {  	_ =	shalt  }
0x49: {  	_ =	shalt  }
0x4a: {  	_ =	shalt  }
0x4b: {  	_ =	shalt  }
0x4c: {  	_ =	shalt  }
0x4d: {  	_ =	shalt  }
0x4e: {  	_ =	shalt  }
0x4f: {  	_ =	shalt  }
0x50: {  	_ =	shalt  }
0x51: {  	_ =	shalt  }
0x52: {  	_ =	shalt  }
0x53: {  	_ =	shalt  }
0x54: {  	_ =	shalt  }
0x55: {  	_ =	shalt  }
0x56: {  	_ =	shalt  }
0x57: {  	_ =	shalt  }
0x58: {  	_ =	shalt  }
0x59: {  	_ =	shalt  }
0x5a: {  	_ =	shalt  }
0x5b: {  	_ =	shalt  }
0x5c: {  	_ =	shalt  }
0x5d: {  	_ =	shalt  }
0x5e: {  	_ =	shalt  }
0x5f: {  	_ =	shalt  }
0x60: {  	_ =	shalt  }
0x61: {  	_ =	shalt  }
0x62: {  	_ =	shalt  }
0x63: {  	_ =	shalt  }
0x64: {  	_ =	shalt  }
0x65: {  	_ =	shalt  }
0x66: {  	_ =	shalt  }
0x67: {  	_ =	shalt  }
0x68: {  	_ =	shalt  }
0x69: {  	_ =	shalt  }
0x6a: {  	_ =	shalt  }
0x6b: {  	_ =	shalt  }
0x6c: {  	_ =	shalt  }
0x6d: {  	_ =	shalt  }
0x6e: {  	_ =	shalt  }
0x6f: {  	_ =	shalt  }
0x70: {  	_ =	shalt  }
0x71: {  	_ =	shalt  }
0x72: {  	_ =	shalt  }
0x73: {  	_ =	shalt  }
0x74: {  	_ =	shalt  }
0x75: {  	_ =	shalt  }
0x76: {  	_ =	shalt  }
0x77: {  	_ =	shalt  }
0x78: {  	_ =	shalt  }
0x79: {  	_ =	shalt  }
0x7a: {  	_ =	shalt  }
0x7b: {  	_ =	shalt  }
0x7c: {  	_ =	shalt  }
0x7d: {  	_ =	shalt  }
0x7e: {  	_ =	shalt  }
0x7f: {  	_ =	shalt  }
0x80: {  	_ =	shalt  }
0x81: {  	_ =	shalt  }
0x82: {  	_ =	shalt  }
0x83: {  	_ =	shalt  }
0x84: {  	_ =	shalt  }
0x85: {  	_ =	shalt  }
0x86: {  	_ =	shalt  }
0x87: {  	_ =	shalt  }
.Lfunc_end0:
.L_simem_size_0:
called_computation.3_lowered:
.L_overlay_start_0:
0x88: {  	s2 =	sld [smem:$0x3FD9]  }
0x89: {  	s3 =	sld [smem:$0x3FFE];
	_ =	sdelay $0x1  }
0x8a: {  	s1 =	srdreg.scid  }
0x8b: {  	s0 =	sand.u32 $0x1, s1  }
0x8c: {  	s17 =	sshll.u32 s0, $0xA;
	s2 =	sadd.s32 s3, s2  }
0x8d: {  	s2 =	sadd.s32 s2, s17  }
0x8e: {  	[smem:$0x3FA9] =	sst s2  }
0x8f: {  	_ = 	snop  }
0x90: {  	s2 =	sld [smem:$0x3FD0];
	(tm) =	ssettm $0x1  }
0x91: {  	s18 =	sld [smem:$0x3FFB];
	_ =	sdelay $0x3  }
0x92: {  	_ =	strace s18  }
0x93: {  	s3 =	sld [smem:$0x3FFC];
	_ =	sdelay $0x3  }
0x94: {  	_ =	strace s3  }
0x95: {  	s3 =	sld [smem:$0x3FFD];
	_ =	sdelay $0x3  }
0x96: {  	_ =	strace s3  }
0x97: {  	_ =	strace $0x8FFFFFFF  }
0x98: {  	s19 =	sld [smem:$0x3FDB];
	_ =	sdelay $0x1  }
0x99: {  	s4 =	simm.s32 $_scs_section_size  }
0x9a: {  	s5 =	simm.s32 $_size__tile_overlayer_lowered;
	s6 =	simm.s32 $_tile_overlayer_lowered  }
0x9b: {  	s22 =	simm.s32 $0x1BFF;
	s21 =	sshll.u32 s6, $0x1;
	s3 =	sadd.s32 s4, s19  }
0x9c: {  	s7 =	simm.s32 $0x0;
	s20 =	sshll.u32 s5, $0x1;
	s5 =	sadd.s32 s21, s3  }
0x9d: {  	[timem:s7], [sflag:s22] =	dma.local [hbm:s5], s20  }
0x9e: {  	_ =	swait.ge [sflag:s22], s20  }
0x9f: {  	s4 =	ssub.s32 $0x0, s20;
	[sflag:s22] =	ssyncset.done $0x0  }
0xa0: {  	[sflag:s22] =	ssyncadd.s32 s4;
	_ =	sdelay $0x1  }
0xa1: {  	s23 =	simm.s32 $0x1B8B  }
0xa2: {  	_ =	swait.ge [sflag:s23], $0x1  }
0xa3: {  	[sflag:s23] =	ssyncset.done $0x0  }
0xa4: {  	s25 =	simm.s32 $0x1B8E;
	s24 =	sld [smem:$0x3FFE];
	[sflag:s23] =	ssyncadd.s32 $0xFFFFFFFF  }
0xa5: {  	s26 =	simm.s32 $execute0_lowered;
	[smem:$0x3FD2] =	sst s25  }
0xa6: {  	s5 =	sshll.u32 s26, $0x1;
	_ =	strace $0x8000004F;
	[dreg:$0x1] =	wrdreg $0xFFFFFFFF  }
0xa7: {  	s28 =	simm.s32 $_size_execute0_lowered;
	s3 =	sadd.s32 s3, s5;
	[dreg:$0x0] =	wrdreg $0x0  }
0xa8: {  	s5 =	sshll.u32 s28, $0x1;
	[dreg:$0x2] =	wrdreg s3  }
0xa9: {  	[dreg:$0x3] =	wrdreg s5  }
0xaa: {  	[dreg:$0x4] =	wrdreg $0xC0  }
0xab: {  	_ =	task [dreg:s7], $0x5FFFF  }
0xac: {  	[dreg:$0x1] =	wrdreg $0xFFFFFFFF  }
0xad: {  	[dreg:$0x0] =	wrdreg $0x60  }
0xae: {  	[dreg:$0x2] =	wrdreg s24  }
0xaf: {  	[dreg:$0x3] =	wrdreg s2  }
0xb0: {  	[dreg:$0x4] =	wrdreg $0x76200  }
0xb1: {  	[dreg:$0x5] =	wrdreg $0x9  }
0xb2: {  	_ =	task.clear_ibuf [dreg:s7], $0x6FFFF;
	_ =	strace $0x9000004F  }
0xb3: {  	s29 =	simm.s32 $0x9;
	_ =	strace $0x80000051  }
0xb4: {  	_ =	swait.ge [sflag:s29], $0x1  }
0xb5: {  	[sflag:s29] =	ssyncadd.s32 $0xFFFFFFFF  }
0xb6: {  	_ =	strace $0x90000051  }
0xb7: {  	_ =	sfence  }
0xb8: {  	s30 =	sld [smem:$0x0];
	_ =	sdelay $0x2  }
0xb9: {  	s31 =	sshll.u32 s1, $0xD;
	s1 =	sshrl.u32 s1, $0x2  }
0xba: {  	s3 =	sand.u32 $0x4000, s31;
	s1 =	sadd.s32 s1, s30  }
0xbb: {  	s0 =	sor.u32 s3, s0;
	s1 =	sshll.u32 s1, $0x11  }
0xbc: {  	s0 =	sor.u32 s1, s0  }
0xbd: {  	s0 =	sadd.s32 $0x8F2B, s0  }
0xbe: {  	[sflag:s0] =	ssyncadd.remote.s32 $0x1  }
0xbf: {  	_ =	sfence.sel $0xFFFF  }
0xc0: {  	[dreg:$0x0] =	wrdreg $0xFFFFFFFF;
	(pc) =	sbr.abs _section_cstart, $3  }
0xc1: {  	[dreg:$0x1] =	wrdreg $0xFFFFFFFF  }
0xc2: {  	_ =	task.clear_ibuf [dreg:s7], $0x2FFFF;
	_ =	strace $0x9FFFFFFF  }
0xc3: {  	(tm) =	ssettm $0x7FFFFFFF  }
tec
execute0_lowered:
.L_overlay_start_1:
0x0: {  	(tag) =	ssettag $0x1  }
0x1: {  	s1 =	srdreg.scid;
	s5 =	rddreg [dreg:$0x0]  }
0x2: {  	s0 =	stileid.u32;
	s7 =	rddreg [dreg:$0x1]  }
0x3: {  	s2 =	rddreg [dreg:$0x2];
	s3 =	simm.s32 $0x0;
	s15 =	simm.s32 $0x1  }
0x4: {  	s16 =	simm.s32 $0x4DD0;
	s17 =	simm.s32 $0x0;
	s6 =	sand.u32 $0x1, s1  }
0x5: {  	s30 =	sshll.u32 s0, $0x1;
	s9 =	smul.u32 $0xA000, s0;
	[smem:$0x7FF] =	sst s3  }
0x6: {  	s4 =	sadd.s32 $0x45C00, s5;
	s1 =	sor.u32 s6, s30;
	s10 =	smul.u32 $0xA0000, s6  }
0x7: {  	s31 =	sshll.u32 s0, $0x6;
	s6 =	ssub.s32 $0x2, s6;
	s8 =	smul.u32 $0x4E2, s1  }
0x8: {  	s1 =	rddreg [dreg:$0x3];
	_ =	strace $0x80000050;
	s12 =	sshrl.u32 s9, $0x3  }
0x9: {  	s13 =	sshrl.u32 s6, $0x1;
	s14 =	sadd.s32 s9, s2;
	s10 =	sadd.s32 s9, s10  }
0xa: {  	s12 =	sadd.s32 s12, s5;
	s13 =	ssub.s32 s6, s13;
	s11 =	sadd.s32 s8, s5  }
0xb: {  	s10 =	sshrl.u32 s10, $0x3;
	s6 =	sadd.s32 s7, s8;
	s7 =	sadd.s32 $0x59600, s12  }
0xc: {  	s9 =	smax.u32 s13, $0x1;
	s12 =	sshrl.u32 s14, $0x3;
	s13 =	simm.s32 $0x4E20  }
0xd: {  	s14 =	simm.s32 $0x50;
	s10 =	sadd.s32 s10, s5;
	s5 =	sadd.s32 $0x5A00, s11  }
0xe: {  	s11 =	sor.u32 $0x1C03, s31;
	s8 =	sadd.s32 $0x6D600, s10;
	s10 =	simm.s32 $0x3  }
.LBB2_1:
0xf: {  	[tilespmem:s3], [sflag:$0x3] =	stream.linear.gather [hbm4b:s5+s3], $0x2710, $0x38;
	[tilespmem:$0x11620] =	vst v63  }
0x10: {  	_ =	swait.ge [sflag:s10], $0x2710  }
0x11: {  	[sflag:s10] =	ssyncset.done $0x0  }
0x12: {  	s18 =	simm.s32 $0x2710;
	[sflag:s10] =	ssyncadd.s32 $0xFFFFD8F0  }
0x13: {  	[tilespmem:s18], [sflag:$0x3] =	stream.linear.gather [hbm4b:s6+s3], $0x2710, $0x38;
	[tilespmem:$0x11620] =	vst v63  }
0x14: {  	_ =	swait.ge [sflag:s10], $0x2710  }
0x15: {  	[sflag:s10] =	ssyncset.done $0x0  }
0x16: {  	s19 =	sand.u32 $0x1, s3;
	[sflag:s10] =	ssyncadd.s32 $0xFFFFD8F0  }
0x17: {  	[spmem:s12], [sflag:s11] =	dma.local [hbm:s7], $0x1400  }
0x18: {  	s20 =	sxor.u32 $0x1, s19;
	_ =	swait.ge [sflag:s10], $0x1400  }
0x19: {  	s21 =	smul.u32 $0x5000, s20;
	[sflag:s10] =	ssyncset.done $0x0  }
0x1a: {  	s31 =	simm.s32 $0x1;
	s29 =	smul.u32 $0x5000, s19;
	[sflag:s10] =	ssyncadd.s32 $0xFFFFEC00  }
0x1b: {  	s30 =	sadd.s32 $0x1, s19;
	s21 =	sshrl.u32 s21, $0x2;
	[bflag:$0x0] =	sbarrier.arrive $0xFFFF  }
0x1c: {  	[tilespmem:s13], [sflag:$0x1] =	stream.indirect.gather [hbm4b:s4+s14], $0x40, s3, s14, $0xb8;
	[tilespmem:$0x11620] =	vst v63  }
0x1d: {  	s19 =	sand.u32 $0x1, s31;
	s20 =	sadd.s32 $0x1, s20;
	s21 =	sadd.s32 $0x4E20, s21  }
0x1e: {  	[tilespmem:s21], [sflag:s20] =	stream.indirect.gather [hbm4b:s4+s14], $0x40, s14, s14, $0xb8;
	[tilespmem:$0x11620] =	vst v63  }
0x1f: {  	s22 =	smul.u32 $0x5000, s19;
	_ =	swait.ge [sflag:s30], $0x1400  }
0x20: {  	s20 =	sshrl.u32 s29, $0x2;
	s21 =	sxor.u32 $0x1, s19;
	[sflag:s30] =	ssyncset.done $0x0  }
0x21: {  	s20 =	sadd.s32 $0x4E20, s20;
	s24 =	smul.u32 $0x5000, s21;
	[sflag:s30] =	ssyncadd.s32 $0xFFFFEC00  }
0x22: {  	[spmem:s2] =	stream.indirect.scatter.add.f32 [tilespmem:s20], [sflag:$0x3], $0x40, s18, s14, $0xb8;
	[tilespmem:$0x11620] =	vst v63  }
0x23: {  	s23 =	simm.s32 $0x2;
	s20 =	simm.s32 $0xA0;
	s18 =	simm.s32 $0x2760  }
.LBB2_2:
0x24: {  	s24 =	sshrl.u32 s24, $0x2;
	s22 =	sshrl.u32 s22, $0x2;
	_ =	swait.ge [sflag:s10], $0x1400  }
0x25: {  	s25 =	smov.u32 s23;
	s26 =	smov.u32 s18;
	s28 =	sadd.s32 $0x1, s23  }
0x26: {  	p0 =	sne.s32 s23, $0x7B;
	s24 =	sadd.s32 $0x4E20, s24;
	[sflag:s10] =	ssyncset.done $0x0  }
0x27: {  	s21 =	sadd.s32 $0x1, s21;
	s23 =	sadd.s32 $0x1, s19;
	[sflag:s10] =	ssyncadd.s32 $0xFFFFEC00  }
0x28: {  	[tilespmem:s24], [sflag:s21] =	stream.indirect.gather [hbm4b:s4+s14], $0x40, s20, s14, $0xb8;
	[tilespmem:$0x11620] =	vst v63  }
.Ltmp0:
0x29: {  	s18 =	sadd.s32 $0x50, s18;
	s20 =	sadd.s32 $0x50, s20;
	(pc) =	sbr.rel @p0 .LBB2_2-.Ltmp0, $4  }
0x2a: {  	s19 =	sand.u32 $0x1, s25;
	s25 =	sadd.s32 $0x4E20, s22;
	_ =	swait.ge [sflag:s23], $0x1400  }
0x2b: {  	s22 =	smul.u32 $0x5000, s19;
	s21 =	sxor.u32 $0x1, s19;
	[sflag:s23] =	ssyncset.done $0x0  }
0x2c: {  	s24 =	smul.u32 $0x5000, s21;
	[sflag:s23] =	ssyncadd.s32 $0xFFFFEC00;
	s23 =	smov.u32 s28  }
0x2d: {  	[spmem:s2] =	stream.indirect.scatter.add.f32 [tilespmem:s25], [sflag:$0x3], $0x40, s26, s14, $0xb8;
	[tilespmem:$0x11620] =	vst v63  }
0x2e: {  	_ =	swait.ge [sflag:s10], $0x1400  }
0x2f: {  	s23 =	sshrl.u32 s24, $0x2;
	s21 =	sadd.s32 $0x1, s21;
	[sflag:s10] =	ssyncset.done $0x0  }
0x30: {  	s19 =	sadd.s32 $0x1, s19;
	s23 =	sadd.s32 $0x4E20, s23;
	[sflag:s10] =	ssyncadd.s32 $0xFFFFEC00  }
0x31: {  	[tilespmem:s23], [sflag:s21] =	stream.indirect.gather [hbm4b:s4+s14], $0x40, s20, s14, $0xb8;
	[tilespmem:$0x11620] =	vst v63  }
0x32: {  	_ =	swait.ge [sflag:s19], $0x1400  }
0x33: {  	s31 =	sshrl.u32 s22, $0x2;
	[sflag:s19] =	ssyncset.done $0x0  }
0x34: {  	s20 =	sadd.s32 $0x4E20, s31;
	[sflag:s19] =	ssyncadd.s32 $0xFFFFEC00  }
0x35: {  	[spmem:s2] =	stream.indirect.scatter.add.f32 [tilespmem:s20], [sflag:$0x3], $0x40, s18, s14, $0xb8;
	[tilespmem:$0x11620] =	vst v63  }
0x36: {  	_ =	swait.ge [sflag:s10], $0x1400  }
0x37: {  	[sflag:s10] =	ssyncset.done $0x0  }
0x38: {  	[sflag:s10] =	ssyncadd.s32 $0xFFFFEC00  }
0x39: {  	_ =	swait.ge [sflag:s15], $0x1400  }
0x3a: {  	[sflag:s15] =	ssyncset.done $0x0  }
0x3b: {  	[sflag:s15] =	ssyncadd.s32 $0xFFFFEC00  }
0x3c: {  	[spmem:s2] =	stream.indirect.scatter.add.f32 [tilespmem:s13], [sflag:$0x3], $0x40, s16, s14, $0xb8;
	[tilespmem:$0x11620] =	vst v63  }
0x3d: {  	_ =	swait.ge [sflag:s10], $0x1400  }
0x3e: {  	s17 =	sadd.s32 $0x1, s17;
	[sflag:s10] =	ssyncset.done $0x0  }
0x3f: {  	p0 =	sne.s32 s17, s9;
	[sflag:s10] =	ssyncadd.s32 $0xFFFFEC00  }
.Ltmp1:
0x40: {  	[bflag:$0x0] =	sbarrier.arrive $0xFFFF;
	(pc) =	sbr.rel @p0 .LBB2_1-.Ltmp1, $4  }
0x41: {  	[hbm:s8], [sflag:s11] =	dma.local [spmem:s12], $0x1400  }
0x42: {  	_ =	swait.ge [sflag:s10], $0x1400  }
0x43: {  	[sflag:s10] =	ssyncset.done $0x0  }
0x44: {  	[sflag:s10] =	ssyncadd.s32 $0xFFFFEC00  }
0x45: {  	_ =	sfence.sel $0x180000  }
0x46: {  	[bflag:$0x0] =	sbarrier.arrive $0xFFFF  }
0x47: {  	p0 =	sne.s32 s0, $0x0;
	_ =	strace $0x90000050  }
0x48: {  	s0 =	sadd.s32 @!p0 $0x100000, s1;
	[bflag:$0x2] =	sbarrier.arrive $0xFFFF  }
0x49: {  	[sflag:s0] =	ssyncadd.tile.s32 @!p0 $0x1;
	_ =	shalt  }
.Lfunc_end2:
_tile_overlayer_lowered:
.L_overlay_start_2:
0x4a: {  	(tag) =	ssettag $0x2  }
0x4b: {  	s0 =	rddreg [dreg:$0x0];
	s2 =	stileid.u32  }
0x4c: {  	s1 =	rddreg [dreg:$0x1];
	p0 =	sne.s32 s2, $0x0  }
0x4d: {  	s3 =	rddreg [dreg:$0x2];
	[bflag:$0x3] =	sbarrier.arrive $0xFFFF;
	s2 =	simm.s32 @!p0 $0x1C03  }
0x4e: {  	[timem:s3], [sflag:s2] =	dma.local @!p0 [hbm:s0], s1  }
0x4f: {  	s0 =	simm.s32 @!p0 $0x3  }
0x50: {  	_ =	swait.ge @!p0 [sflag:s0], s1  }
0x51: {  	s1 =	ssub.s32 @!p0 $0x0, s1;
	[sflag:s0] =	ssyncset.done @!p0 $0x0  }
0x52: {  	[sflag:s0] =	ssyncadd.s32 @!p0 s1  }
0x53: {  	[bflag:$0x3] =	sbarrier.arrive $0xFFFF  }
0x54: {  	_ =	shalt  }

</sc_bundles>
